<compile_context>
chip_gen: v7x
topology: tpu7x:2x2x1
jax: 0.10.2.dev20260603
libtpu: 0.0.44.dev20260713+nightly
codegen_flags: <defaults>
</compile_context>

<pallas_src>
import jax
import jax.numpy as jnp
from jax import lax
from jax.experimental import pallas as pl
from jax.experimental.pallas import tpu as pltpu
from jax.experimental.pallas import tpu_sc as plsc

_B = 128
_V = 100000
_L = 16
_NB = 1024
_BSHIFT = 22
_CAP = 2048
_KP = 50
_TOPP = 0.9
_NEG = -1000000000.0
_IMIN = -2147483648
_BIG = 1 << 30


def _mono(b):
    return b ^ (lax.shift_right_arithmetic(b, 31) & jnp.int32(0x7FFFFFFF))


def _body(
    x_hbm, ov_hbm, oi_hbm, xrow, hist, cand_i, sort_v, sort_i, pbuf,
    vbuf_v, vbuf_i, sem_a,
):
    nc = 2
    wid = lax.axis_index("s") * nc + lax.axis_index("c")
    rows_per = _B // 32
    iot = lax.iota(jnp.int32, _L)
    lane0 = iot == 0
    zero16 = jnp.zeros((_L,), jnp.int32)
    ones16 = jnp.ones((_L,), jnp.int32)

    laneoff512 = iot * jnp.int32(_NB) + jnp.int32(_NB // 2)

    def issue_row(r):
        pltpu.make_async_copy(x_hbm.at[r], xrow, sem_a).start()

    issue_row(wid * rows_per)

    def row_body(t, carry):
        r = wid * rows_per + t

        @plsc.parallel_loop(0, _NB * _L, _L, unroll=8)
        def zb(i):
            hist[pl.ds(i, _L)] = zero16

        pltpu.make_async_copy(x_hbm.at[r], xrow, sem_a).wait()

        @plsc.parallel_loop(0, _V, _L, unroll=8)
        def hb(i):
            x = xrow[pl.ds(i, _L)]
            b = lax.bitcast_convert_type(x, jnp.int32)
            bucket = lax.shift_right_arithmetic(b, _BSHIFT) ^ (
                lax.shift_right_arithmetic(b, 31) & jnp.int32(0x1FF)
            )
            plsc.addupdate_scatter(hist, [laneoff512 + bucket], ones16)

        def gcond(carry):
            gi, cum, bstar, done = carry
            return jnp.logical_and(done == 0, gi < jnp.int32(_NB // _L))

        def gb(carry):
            gi, cum, bstar, done = carry
            g = jnp.int32(_NB // _L - 1) - gi
            acc = zero16
            for l in range(_L):
                acc = acc + hist[pl.ds(l * _NB + g * _L, _L)]
            cs = plsc.cumsum(lax.rev(acc, (0,)))
            crossed = (cs + cum) >= jnp.int32(_KP)
            khere = jnp.min(jnp.where(crossed, iot, jnp.int32(99)))
            bhere = g * _L + jnp.int32(_L - 1) - khere
            found = jnp.logical_and(done == 0, khere < 99)
            bstar = jnp.where(found, bhere, bstar)
            done = jnp.where(khere < 99, jnp.int32(1), done)
            return (gi + jnp.int32(1), cum + jnp.max(cs), bstar, done)

        _, _, bstar, _ = lax.while_loop(
            gcond, gb, (jnp.int32(0), jnp.int32(0), jnp.int32(0), jnp.int32(0))
        )
        key_lo = lax.shift_left(bstar - jnp.int32(_NB // 2), _BSHIFT)
        f_lo = lax.bitcast_convert_type(
            jnp.where(key_lo >= 0, key_lo, key_lo ^ jnp.int32(0x7FFFFFFF)),
            jnp.float32,
        )

        @plsc.parallel_loop(0, _V, _L, unroll=8, carry=zero16)
        def cb(i, off):
            x = xrow[pl.ds(i, _L)]
            m = x >= f_lo
            mi = m.astype(jnp.int32)
            csum = plsc.cumsum(mi)
            dest = jnp.minimum(off + (csum - mi), jnp.int32(_CAP - 1))
            plsc.store_scatter(cand_i, [dest], iot + i, mask=m)
            return off + plsc.all_reduce_population_count(m)

        off = cb
        n = jnp.max(off)
        nv = (n + jnp.int32(_L - 1)) // jnp.int32(_L)

        neg30 = jnp.full((_L,), -1e30, jnp.float32)
        for v in range(4):
            sort_v[pl.ds(v * _L, _L)] = neg30

        def ext(j, c):
            @plsc.parallel_loop(
                0,
                nv * _L,
                _L,
                unroll=4,
                carry=(
                    jnp.full((_L,), _IMIN, jnp.int32),
                    jnp.full((_L,), _BIG, jnp.int32),
                ),
            )
            def scanv(i, mc):
                maxv, argv = mc
                pos = iot + i
                valid = pos < n
                civ = cand_i[pl.ds(i, _L)]
                cv = plsc.load_gather(xrow, [civ], mask=valid)
                key = _mono(lax.bitcast_convert_type(cv, jnp.int32))
                keye = jnp.where(valid, key, _IMIN)
                upd = keye > maxv
                return (jnp.where(upd, keye, maxv), jnp.where(upd, pos, argv))

            maxv, argv = scanv
            gk = jnp.max(maxv)
            gpos = jnp.min(jnp.where(maxv == gk, argv, _BIG))
            gposv = zero16 + gpos
            gidx = plsc.load_gather(cand_i, [gposv])
            gval = plsc.load_gather(xrow, [gidx])
            jv = zero16 + j
            plsc.store_scatter(sort_v, [jv], gval, mask=lane0)
            plsc.store_scatter(sort_i, [jv], gidx, mask=lane0)
            plsc.store_scatter(
                xrow, [gidx], jnp.full((_L,), -3e38, jnp.float32), mask=lane0
            )
            return c

        lax.fori_loop(0, _KP, ext, 0)

        @pl.when(t < rows_per - 1)
        def _():
            issue_row(r + 1)

        s = [sort_v[pl.ds(v * _L, _L)] for v in range(4)]
        vmaxs = jnp.max(s[0])
        es = [jnp.exp(sv - vmaxs) for sv in s]
        z = jnp.sum(es[0] + es[1] + es[2] + es[3])
        pbuf[pl.ds(0, _L)] = jnp.zeros((_L,), jnp.float32)
        for v in range(4):
            pbuf[pl.ds(_L + v * _L, _L)] = es[v] / z
        cprev = jnp.float32(0.0)
        mtot = zero16
        for v in range(4):
            ps = pbuf[pl.ds(_L - 1 + v * _L, _L)]
            cs = plsc.cumsum(ps) + cprev
            cprev = jnp.max(cs)
            keepj = jnp.logical_and(cs <= jnp.float32(_TOPP), (iot + v * _L) < _KP)
            mtot = mtot + plsc.all_reduce_population_count(keepj)
        m = jnp.max(mtot)

        mm1 = zero16 + (m - jnp.int32(1))
        vstar = plsc.load_gather(sort_v, [mm1])
        istar = plsc.load_gather(sort_i, [mm1])
        plsc.store_scatter(vbuf_v, [zero16 + t], vstar, mask=lane0)
        plsc.store_scatter(vbuf_i, [zero16 + t], istar, mask=lane0)
        return carry

    lax.fori_loop(0, rows_per, row_body, 0)
    pltpu.sync_copy(vbuf_v, ov_hbm.at[wid])
    pltpu.sync_copy(vbuf_i, oi_hbm.at[wid])


_BV = 10000


def _mask_body(xt_ref, vs_ref, is_ref, ot_ref):
    pid = pl.program_id(0)
    x = xt_ref[...]
    vs = vs_ref[...][None, :]
    ist = is_ref[...][None, :]
    vidx = jax.lax.broadcasted_iota(jnp.int32, (_BV, _B), 0) + pid * _BV
    keep = jnp.logical_or(x > vs, jnp.logical_and(x == vs, vidx <= ist))
    ot_ref[...] = jnp.where(keep, x, jnp.float32(_NEG))


def kernel(logits):
    mesh = plsc.VectorSubcoreMesh(
        core_axis_name="c", subcore_axis_name="s", num_cores=2
    )
    run = pl.kernel(
        _body,
        mesh=mesh,
        out_type=(
            jax.ShapeDtypeStruct((32, 8), jnp.float32),
            jax.ShapeDtypeStruct((32, 8), jnp.int32),
        ),
        compiler_params=pltpu.CompilerParams(needs_layout_passes=False),
        scratch_types=[
            pltpu.VMEM((_V,), jnp.float32),
            pltpu.VMEM((_NB * _L,), jnp.int32),
            pltpu.VMEM((_CAP,), jnp.int32),
            pltpu.VMEM((64,), jnp.float32),
            pltpu.VMEM((64,), jnp.int32),
            pltpu.VMEM((80,), jnp.float32),
            pltpu.VMEM((8,), jnp.float32),
            pltpu.VMEM((8,), jnp.int32),
            pltpu.SemaphoreType.DMA,
        ],
    )
    vs8, is8 = run(logits)
    vstar = vs8[:, :4].reshape(_B)
    istar = is8[:, :4].reshape(_B)
    out_t = pl.pallas_call(
        _mask_body,
        grid=(_V // _BV,),
        in_specs=[
            pl.BlockSpec((_BV, _B), lambda i: (i, 0)),
            pl.BlockSpec((_B,), lambda i: (0,)),
            pl.BlockSpec((_B,), lambda i: (0,)),
        ],
        out_specs=pl.BlockSpec((_BV, _B), lambda i: (i, 0)),
        out_shape=jax.ShapeDtypeStruct((_V, _B), jnp.float32),
    )(logits.T, vstar, istar)
    return out_t.T

# --- scband reference (transcript-rebuilt; emitter-appended) ---
"""Pipeline reference for scband-simple-prediction-wrapper-16157666967690 (READ-ONLY COPY).

The authoritative reference and input builder live on the scoring server;
editing this copy changes nothing except your own understanding.
"""

import jax, jax.numpy as jnp
import numpy as np

TOP_K = 50
TOP_P = 0.9
NEG = -1000000000.0


def _modify_logits(logits):
    B, V = logits.shape
    rows = jnp.arange(B)[:, None]
    # --- top-k filtering (k > 0 and k < vocab) ---
    topk_vals, topk_idx = jax.lax.top_k(logits, TOP_K)
    keep = jnp.zeros((B, V), dtype=bool).at[rows, topk_idx].set(True)
    logits = jnp.where(keep, logits, NEG)
    # --- top-p (nucleus) filtering (0 < top_p < 1) ---
    sorted_idx = jnp.argsort(-logits, axis=-1)          # descending sort indices
    sorted_logits = jnp.take_along_axis(logits, sorted_idx, axis=-1)
    cumulative_probs = jnp.cumsum(jax.nn.softmax(sorted_logits, axis=-1), axis=-1)
    remove_sorted = cumulative_probs > TOP_P
    # shift right so the first token above the threshold is kept
    remove_sorted = jnp.concatenate(
        [jnp.zeros((B, 1), dtype=bool), remove_sorted[:, :-1]], axis=-1
    )
    indices_to_remove = jnp.zeros((B, V), dtype=bool).at[rows, sorted_idx].set(remove_sorted)
    logits = jnp.where(indices_to_remove, NEG, logits)
    return logits


def setup_inputs(seed: int = 0) -> dict:
    key = jax.random.key(seed)
    logits = jax.random.normal(key, (128, 100000), dtype=jnp.float32)
    return {"logits": logits}


def reference(logits):
    return _modify_logits(logits)

if __name__ == "__main__":
    import jax
    _d = setup_inputs()
    print(jax.jit(kernel)(*tuple(_d.values())))

</pallas_src>

<mosaic_0001>
#map = affine_map<(d0, d1) -> (0, 0)>
module attributes {stable_mosaic.version = 14 : i64} {
  func.func @_body(%arg0: i32, %arg1: i32, %arg2: memref<128x100000xf32, #tpu.memory_space<hbm>>, %arg3: memref<32x8xf32, #tpu.memory_space<hbm>>, %arg4: memref<32x8xi32, #tpu.memory_space<hbm>>, %arg5: memref<100000xf32, #tpu.memory_space<vmem>>, %arg6: memref<16384xi32, #tpu.memory_space<vmem>>, %arg7: memref<2048xi32, #tpu.memory_space<vmem>>, %arg8: memref<64xf32, #tpu.memory_space<vmem>>, %arg9: memref<64xi32, #tpu.memory_space<vmem>>, %arg10: memref<80xf32, #tpu.memory_space<vmem>>, %arg11: memref<8xf32, #tpu.memory_space<vmem>>, %arg12: memref<8xi32, #tpu.memory_space<vmem>>, %arg13: memref<!tpu.dma_semaphore, #tpu.memory_space<semaphore_mem>>) attributes {dimension_semantics = [#tpu.dimension_semantics<core_parallel>, #tpu.dimension_semantics<subcore_parallel>], iteration_bounds = array<i64: 2, 16>, scalar_prefetch = 0 : i64, scratch_operands = 9 : i64, tpu.core_type = #tpu.core_type<sc_vector_subcore>, window_params = [{transform_indices = #map}, {transform_indices = #map}, {transform_indices = #map}]} {
    %mul3A = arith.constant 2 : i32
    %mul3A_0 = arith.muli %arg1, %mul3A : i32
    %add3A = arith.addi %mul3A_0, %arg0 : i32
    %iota3A = tpu.iota {dimensions = array<i32: 0>} : vector<16xi32>
    %eq3A = arith.constant 0 : i32
    %eq3A_1 = vector.broadcast %eq3A : i32 to vector<16xi32>
    %eq3A_2 = arith.cmpi eq, %iota3A, %eq3A_1 : vector<16xi32>
    %broadcast_in_dim3A = arith.constant 0 : i32
    %broadcast_in_dim3A_3 = vector.broadcast %broadcast_in_dim3A : i32 to vector<16xi32>
    %broadcast_in_dim3A_4 = arith.constant 1 : i32
    %broadcast_in_dim3A_5 = vector.broadcast %broadcast_in_dim3A_4 : i32 to vector<16xi32>
    %mul3A_6 = arith.constant 1024 : i32
    %mul3A_7 = vector.broadcast %mul3A_6 : i32 to vector<16xi32>
    %mul3A_8 = arith.muli %iota3A, %mul3A_7 : vector<16xi32>
    %add3A_9 = arith.constant 512 : i32
    %add3A_10 = vector.broadcast %add3A_9 : i32 to vector<16xi32>
    %add3A_11 = arith.addi %mul3A_8, %add3A_10 : vector<16xi32>
    %mul3A_12 = arith.constant 4 : i32
    %mul3A_13 = arith.muli %add3A, %mul3A_12 : i32
    %dma_start3A = arith.constant 0 : i32
    %dma_start3A_14 = tpu.memref_slice %arg2[%mul3A_13, %dma_start3A] : memref<128x100000xf32, #tpu.memory_space<hbm>> -> memref<1x100000xf32, #tpu.memory_space<hbm>>
    %dma_start3A_15 = tpu.memref_squeeze %dma_start3A_14 : memref<1x100000xf32, #tpu.memory_space<hbm>> -> memref<100000xf32, #tpu.memory_space<hbm>>
    %dma_start3A_16 = arith.constant 0 : i32
    %dma_start3A_17 = tpu.memref_slice %arg2[%mul3A_13, %dma_start3A_16] : memref<128x100000xf32, #tpu.memory_space<hbm>> -> memref<1x100000xf32, #tpu.memory_space<hbm>>
    %dma_start3A_18 = tpu.memref_squeeze %dma_start3A_17 : memref<1x100000xf32, #tpu.memory_space<hbm>> -> memref<100000xf32, #tpu.memory_space<hbm>>
    tpu.enqueue_dma source(%dma_start3A_18 : memref<100000xf32, #tpu.memory_space<hbm>>) target(%arg5 : memref<100000xf32, #tpu.memory_space<vmem>>) target_semaphore(%arg13 : memref<!tpu.dma_semaphore, #tpu.memory_space<semaphore_mem>>)
    %scan3A = arith.constant 0 : i32
    %scan3A_19 = arith.constant 0 : i32
    %scan3A_20 = arith.constant 4 : i32
    %scan3A_21 = arith.addi %scan3A_19, %scan3A_20 : i32
    %scan3A_22 = arith.constant 1 : i32
    scf.for %scan3A_24 = %scan3A_19 to %scan3A_21 step %scan3A_22  : i32 {
      %mul3A_25 = arith.constant 4 : i32
      %mul3A_26 = arith.muli %add3A, %mul3A_25 : i32
      %add3A_27 = arith.addi %mul3A_26, %scan3A_24 : i32
      %parallel_loop3A = arith.constant 0 : i32
      %parallel_loop3A_28 = arith.constant 16384 : i32
      %parallel_loop3A_29 = arith.constant 16 : i32
      scf.for %parallel_loop3A_249 = %parallel_loop3A to %parallel_loop3A_28 step %parallel_loop3A_29  : i32 {
        %parallel_loop3A_250 = arith.index_cast %parallel_loop3A_249 : i32 to index
        %parallel_loop3A_251 = tpu.vector_load %arg6[%parallel_loop3A_250] {strides = array<i32>} : memref<16384xi32, #tpu.memory_space<vmem>>, vector<16xi32>,
        tpu.vector_store %arg6[%parallel_loop3A_250], %broadcast_in_dim3A_3 {strides = array<i32>} : memref<16384xi32, #tpu.memory_space<vmem>>, vector<16xi32>,
      } {sc.loop_unroll_factor = 8 : i64, sc.parallel_access}
      %dma_wait3A = arith.constant 0 : i32
      %dma_wait3A_30 = tpu.memref_slice %arg2[%add3A_27, %dma_wait3A] : memref<128x100000xf32, #tpu.memory_space<hbm>> -> memref<1x100000xf32, #tpu.memory_space<hbm>>
      %dma_wait3A_31 = tpu.memref_squeeze %dma_wait3A_30 : memref<1x100000xf32, #tpu.memory_space<hbm>> -> memref<100000xf32, #tpu.memory_space<hbm>>
      %dma_wait3A_32 = arith.constant 0 : i32
      %dma_wait3A_33 = tpu.memref_slice %arg2[%add3A_27, %dma_wait3A_32] : memref<128x100000xf32, #tpu.memory_space<hbm>> -> memref<1x100000xf32, #tpu.memory_space<hbm>>
      %dma_wait3A_34 = tpu.memref_squeeze %dma_wait3A_33 : memref<1x100000xf32, #tpu.memory_space<hbm>> -> memref<100000xf32, #tpu.memory_space<hbm>>
      tpu.wait_dma2 semaphore(%arg13 : memref<!tpu.dma_semaphore, #tpu.memory_space<semaphore_mem>>) src(%dma_wait3A_34 : memref<100000xf32, #tpu.memory_space<hbm>>) dst(%arg5 : memref<100000xf32, #tpu.memory_space<vmem>>)
      %parallel_loop3A_35 = arith.constant 0 : i32
      %parallel_loop3A_36 = arith.constant 100000 : i32
      %parallel_loop3A_37 = arith.constant 16 : i32
      scf.for %parallel_loop3A_249 = %parallel_loop3A_35 to %parallel_loop3A_36 step %parallel_loop3A_37  : i32 {
        %parallel_loop3A_250 = arith.index_cast %parallel_loop3A_249 : i32 to index
        %parallel_loop3A_251 = tpu.vector_load %arg5[%parallel_loop3A_250] {strides = array<i32>} : memref<100000xf32, #tpu.memory_space<vmem>>, vector<16xf32>,
        %parallel_loop3A_252 = tpu.bitcast %parallel_loop3A_251 : vector<16xf32> -> vector<16xi32>
        %parallel_loop3A_253 = arith.constant 22 : i32
        %parallel_loop3A_254 = vector.broadcast %parallel_loop3A_253 : i32 to vector<16xi32>
        %parallel_loop3A_255 = arith.shrsi %parallel_loop3A_252, %parallel_loop3A_254 : vector<16xi32>
        %parallel_loop3A_256 = arith.constant 31 : i32
        %parallel_loop3A_257 = vector.broadcast %parallel_loop3A_256 : i32 to vector<16xi32>
        %parallel_loop3A_258 = arith.shrsi %parallel_loop3A_252, %parallel_loop3A_257 : vector<16xi32>
        %parallel_loop3A_259 = arith.constant 511 : i32
        %parallel_loop3A_260 = vector.broadcast %parallel_loop3A_259 : i32 to vector<16xi32>
        %parallel_loop3A_261 = arith.andi %parallel_loop3A_258, %parallel_loop3A_260 : vector<16xi32>
        %parallel_loop3A_262 = arith.xori %parallel_loop3A_255, %parallel_loop3A_261 : vector<16xi32>
        %parallel_loop3A_263 = arith.addi %add3A_11, %parallel_loop3A_262 : vector<16xi32>
        tpu.vector_store_idx %arg6[%parallel_loop3A_263], %broadcast_in_dim3A_5 {add = true} : memref<16384xi32, #tpu.memory_space<vmem>>[vector<16xi32>], vector<16xi32>,
      } {sc.loop_unroll_factor = 8 : i64, sc.parallel_access}
      %while3A = arith.constant 0 : i32
      %while3A_38 = arith.constant 0 : i32
      %while3A_39 = arith.constant 0 : i32
      %while3A_40 = arith.constant 0 : i32
      %while3A_41:4 = scf.while (%while3A_249 = %while3A, %while3A_250 = %while3A_38, %while3A_251 = %while3A_39, %while3A_252 = %while3A_40) : (i32, i32, i32, i32) -> (i32, i32, i32, i32) {
        %eq3A_253 = arith.constant 0 : i32
        %eq3A_254 = arith.cmpi eq, %while3A_252, %eq3A_253 : i32
        %lt3A_255 = arith.constant 64 : i32
        %lt3A_256 = arith.cmpi slt, %while3A_249, %lt3A_255 : i32
        %and3A_257 = arith.andi %eq3A_254, %lt3A_256 : i1
        scf.condition(%and3A_257) %while3A_249, %while3A_250, %while3A_251, %while3A_252 : i32, i32, i32, i32
      } do {
      ^bb0(%while3A_249: i32, %while3A_250: i32, %while3A_251: i32, %while3A_252: i32):
        %sub3A_253 = arith.constant 63 : i32
        %sub3A_254 = arith.subi %sub3A_253, %while3A_249 : i32
        %mul3A_255 = arith.constant 16 : i32
        %mul3A_256 = arith.muli %sub3A_254, %mul3A_255 : i32
        %add3A_257 = arith.constant 0 : i32
        %add3A_258 = arith.addi %add3A_257, %mul3A_256 : i32
        %get3A_259 = arith.index_cast %add3A_258 : i32 to index
        %get3A_260 = tpu.vector_load %arg6[%get3A_259] {strides = array<i32>} : memref<16384xi32, #tpu.memory_space<vmem>>, vector<16xi32>,
        %add3A_261 = arith.addi %broadcast_in_dim3A_3, %get3A_260 : vector<16xi32>
        %mul3A_262 = arith.constant 16 : i32
        %mul3A_263 = arith.muli %sub3A_254, %mul3A_262 : i32
        %add3A_264 = arith.constant 1024 : i32
        %add3A_265 = arith.addi %add3A_264, %mul3A_263 : i32
        %get3A_266 = arith.index_cast %add3A_265 : i32 to index
        %get3A_267 = tpu.vector_load %arg6[%get3A_266] {strides = array<i32>} : memref<16384xi32, #tpu.memory_space<vmem>>, vector<16xi32>,
        %add3A_268 = arith.addi %add3A_261, %get3A_267 : vector<16xi32>
        %mul3A_269 = arith.constant 16 : i32
        %mul3A_270 = arith.muli %sub3A_254, %mul3A_269 : i32
        %add3A_271 = arith.constant 2048 : i32
        %add3A_272 = arith.addi %add3A_271, %mul3A_270 : i32
        %get3A_273 = arith.index_cast %add3A_272 : i32 to index
        %get3A_274 = tpu.vector_load %arg6[%get3A_273] {strides = array<i32>} : memref<16384xi32, #tpu.memory_space<vmem>>, vector<16xi32>,
        %add3A_275 = arith.addi %add3A_268, %get3A_274 : vector<16xi32>
        %mul3A_276 = arith.constant 16 : i32
        %mul3A_277 = arith.muli %sub3A_254, %mul3A_276 : i32
        %add3A_278 = arith.constant 3072 : i32
        %add3A_279 = arith.addi %add3A_278, %mul3A_277 : i32
        %get3A_280 = arith.index_cast %add3A_279 : i32 to index
        %get3A_281 = tpu.vector_load %arg6[%get3A_280] {strides = array<i32>} : memref<16384xi32, #tpu.memory_space<vmem>>, vector<16xi32>,
        %add3A_282 = arith.addi %add3A_275, %get3A_281 : vector<16xi32>
        %mul3A_283 = arith.constant 16 : i32
        %mul3A_284 = arith.muli %sub3A_254, %mul3A_283 : i32
        %add3A_285 = arith.constant 4096 : i32
        %add3A_286 = arith.addi %add3A_285, %mul3A_284 : i32
        %get3A_287 = arith.index_cast %add3A_286 : i32 to index
        %get3A_288 = tpu.vector_load %arg6[%get3A_287] {strides = array<i32>} : memref<16384xi32, #tpu.memory_space<vmem>>, vector<16xi32>,
        %add3A_289 = arith.addi %add3A_282, %get3A_288 : vector<16xi32>
        %mul3A_290 = arith.constant 16 : i32
        %mul3A_291 = arith.muli %sub3A_254, %mul3A_290 : i32
        %add3A_292 = arith.constant 5120 : i32
        %add3A_293 = arith.addi %add3A_292, %mul3A_291 : i32
        %get3A_294 = arith.index_cast %add3A_293 : i32 to index
        %get3A_295 = tpu.vector_load %arg6[%get3A_294] {strides = array<i32>} : memref<16384xi32, #tpu.memory_space<vmem>>, vector<16xi32>,
        %add3A_296 = arith.addi %add3A_289, %get3A_295 : vector<16xi32>
        %mul3A_297 = arith.constant 16 : i32
        %mul3A_298 = arith.muli %sub3A_254, %mul3A_297 : i32
        %add3A_299 = arith.constant 6144 : i32
        %add3A_300 = arith.addi %add3A_299, %mul3A_298 : i32
        %get3A_301 = arith.index_cast %add3A_300 : i32 to index
        %get3A_302 = tpu.vector_load %arg6[%get3A_301] {strides = array<i32>} : memref<16384xi32, #tpu.memory_space<vmem>>, vector<16xi32>,
        %add3A_303 = arith.addi %add3A_296, %get3A_302 : vector<16xi32>
        %mul3A_304 = arith.constant 16 : i32
        %mul3A_305 = arith.muli %sub3A_254, %mul3A_304 : i32
        %add3A_306 = arith.constant 7168 : i32
        %add3A_307 = arith.addi %add3A_306, %mul3A_305 : i32
        %get3A_308 = arith.index_cast %add3A_307 : i32 to index
        %get3A_309 = tpu.vector_load %arg6[%get3A_308] {strides = array<i32>} : memref<16384xi32, #tpu.memory_space<vmem>>, vector<16xi32>,
        %add3A_310 = arith.addi %add3A_303, %get3A_309 : vector<16xi32>
        %mul3A_311 = arith.constant 16 : i32
        %mul3A_312 = arith.muli %sub3A_254, %mul3A_311 : i32
        %add3A_313 = arith.constant 8192 : i32
        %add3A_314 = arith.addi %add3A_313, %mul3A_312 : i32
        %get3A_315 = arith.index_cast %add3A_314 : i32 to index
        %get3A_316 = tpu.vector_load %arg6[%get3A_315] {strides = array<i32>} : memref<16384xi32, #tpu.memory_space<vmem>>, vector<16xi32>,
        %add3A_317 = arith.addi %add3A_310, %get3A_316 : vector<16xi32>
        %mul3A_318 = arith.constant 16 : i32
        %mul3A_319 = arith.muli %sub3A_254, %mul3A_318 : i32
        %add3A_320 = arith.constant 9216 : i32
        %add3A_321 = arith.addi %add3A_320, %mul3A_319 : i32
        %get3A_322 = arith.index_cast %add3A_321 : i32 to index
        %get3A_323 = tpu.vector_load %arg6[%get3A_322] {strides = array<i32>} : memref<16384xi32, #tpu.memory_space<vmem>>, vector<16xi32>,
        %add3A_324 = arith.addi %add3A_317, %get3A_323 : vector<16xi32>
        %mul3A_325 = arith.constant 16 : i32
        %mul3A_326 = arith.muli %sub3A_254, %mul3A_325 : i32
        %add3A_327 = arith.constant 10240 : i32
        %add3A_328 = arith.addi %add3A_327, %mul3A_326 : i32
        %get3A_329 = arith.index_cast %add3A_328 : i32 to index
        %get3A_330 = tpu.vector_load %arg6[%get3A_329] {strides = array<i32>} : memref<16384xi32, #tpu.memory_space<vmem>>, vector<16xi32>,
        %add3A_331 = arith.addi %add3A_324, %get3A_330 : vector<16xi32>
        %mul3A_332 = arith.constant 16 : i32
        %mul3A_333 = arith.muli %sub3A_254, %mul3A_332 : i32
        %add3A_334 = arith.constant 11264 : i32
        %add3A_335 = arith.addi %add3A_334, %mul3A_333 : i32
        %get3A_336 = arith.index_cast %add3A_335 : i32 to index
        %get3A_337 = tpu.vector_load %arg6[%get3A_336] {strides = array<i32>} : memref<16384xi32, #tpu.memory_space<vmem>>, vector<16xi32>,
        %add3A_338 = arith.addi %add3A_331, %get3A_337 : vector<16xi32>
        %mul3A_339 = arith.constant 16 : i32
        %mul3A_340 = arith.muli %sub3A_254, %mul3A_339 : i32
        %add3A_341 = arith.constant 12288 : i32
        %add3A_342 = arith.addi %add3A_341, %mul3A_340 : i32
        %get3A_343 = arith.index_cast %add3A_342 : i32 to index
        %get3A_344 = tpu.vector_load %arg6[%get3A_343] {strides = array<i32>} : memref<16384xi32, #tpu.memory_space<vmem>>, vector<16xi32>,
        %add3A_345 = arith.addi %add3A_338, %get3A_344 : vector<16xi32>
        %mul3A_346 = arith.constant 16 : i32
        %mul3A_347 = arith.muli %sub3A_254, %mul3A_346 : i32
        %add3A_348 = arith.constant 13312 : i32
        %add3A_349 = arith.addi %add3A_348, %mul3A_347 : i32
        %get3A_350 = arith.index_cast %add3A_349 : i32 to index
        %get3A_351 = tpu.vector_load %arg6[%get3A_350] {strides = array<i32>} : memref<16384xi32, #tpu.memory_space<vmem>>, vector<16xi32>,
        %add3A_352 = arith.addi %add3A_345, %get3A_351 : vector<16xi32>
        %mul3A_353 = arith.constant 16 : i32
        %mul3A_354 = arith.muli %sub3A_254, %mul3A_353 : i32
        %add3A_355 = arith.constant 14336 : i32
        %add3A_356 = arith.addi %add3A_355, %mul3A_354 : i32
        %get3A_357 = arith.index_cast %add3A_356 : i32 to index
        %get3A_358 = tpu.vector_load %arg6[%get3A_357] {strides = array<i32>} : memref<16384xi32, #tpu.memory_space<vmem>>, vector<16xi32>,
        %add3A_359 = arith.addi %add3A_352, %get3A_358 : vector<16xi32>
        %mul3A_360 = arith.constant 16 : i32
        %mul3A_361 = arith.muli %sub3A_254, %mul3A_360 : i32
        %add3A_362 = arith.constant 15360 : i32
        %add3A_363 = arith.addi %add3A_362, %mul3A_361 : i32
        %get3A_364 = arith.index_cast %add3A_363 : i32 to index
        %get3A_365 = tpu.vector_load %arg6[%get3A_364] {strides = array<i32>} : memref<16384xi32, #tpu.memory_space<vmem>>, vector<16xi32>,
        %add3A_366 = arith.addi %add3A_359, %get3A_365 : vector<16xi32>
        %rev3A = arith.constant 15 : i32
        %rev3A_367 = vector.broadcast %rev3A : i32 to vector<16xi32>
        %rev3A_368 = tpu.iota {dimensions = array<i32: 0>} : vector<16xi32>
        %rev3A_369 = arith.subi %rev3A_367, %rev3A_368 : vector<16xi32>
        %rev3A_370 = tpu.dynamic_gather %add3A_366[%rev3A_369] in [0] : vector<16xi32>, vector<16xi32> -> vector<16xi32>
        %broadcast_in_dim3A_371 = arith.constant true
        %broadcast_in_dim3A_372 = vector.broadcast %broadcast_in_dim3A_371 : i1 to vector<16xi1>
        %masked_cumsum3A_373 = tpu.scan <sum>, %rev3A_370 masked %broadcast_in_dim3A_372 : vector<16xi32>, vector<16xi1> -> vector<16xi32>
        %add3A_374 = vector.broadcast %while3A_250 : i32 to vector<16xi32>
        %add3A_375 = arith.addi %masked_cumsum3A_373, %add3A_374 : vector<16xi32>
        %ge3A_376 = arith.constant 50 : i32
        %ge3A_377 = vector.broadcast %ge3A_376 : i32 to vector<16xi32>
        %ge3A_378 = arith.cmpi sge, %add3A_375, %ge3A_377 : vector<16xi32>
        %jit3A_379 = arith.constant 99 : i32
        %broadcast_in_dim3A_380 = vector.broadcast %jit3A_379 : i32 to vector<16xi32>
        %select_n3A_381 = arith.select %ge3A_378, %iota3A, %broadcast_in_dim3A_380 : vector<16xi1>, vector<16xi32>
        %reduce_min3A = arith.constant true
        %reduce_min3A_382 = vector.broadcast %reduce_min3A : i1 to vector<16xi1>
        %reduce_min3A_383 = arith.constant -2147483648 : i32
        %reduce_min3A_384 = vector.broadcast %reduce_min3A_383 : i32 to vector<16xi32>
        %reduce_min3A_385 = arith.xori %select_n3A_381, %reduce_min3A_384 : vector<16xi32>
        %reduce_min3A_386 = tpu.scan <min>, %reduce_min3A_385 masked %reduce_min3A_382 : vector<16xi32>, vector<16xi1> -> vector<16xi32>
        %reduce_min3A_387 = arith.xori %reduce_min3A_386, %reduce_min3A_384 : vector<16xi32>
        %reduce_min3A_388 = vector.extract %reduce_min3A_387[15] : i32 from vector<16xi32>
        %mul3A_389 = arith.constant 16 : i32
        %mul3A_390 = arith.muli %sub3A_254, %mul3A_389 : i32
        %add3A_391 = arith.constant 15 : i32
        %add3A_392 = arith.addi %mul3A_390, %add3A_391 : i32
        %sub3A_393 = arith.subi %add3A_392, %reduce_min3A_388 : i32
        %eq3A_394 = arith.constant 0 : i32
        %eq3A_395 = arith.cmpi eq, %while3A_252, %eq3A_394 : i32
        %lt3A_396 = arith.constant 99 : i32
        %lt3A_397 = arith.cmpi slt, %reduce_min3A_388, %lt3A_396 : i32
        %and3A_398 = arith.andi %eq3A_395, %lt3A_397 : i1
        %select_n3A_399 = arith.select %and3A_398, %sub3A_393, %while3A_251 : i32
        %lt3A_400 = arith.constant 99 : i32
        %lt3A_401 = arith.cmpi slt, %reduce_min3A_388, %lt3A_400 : i32
        %jit3A_402 = arith.constant 1 : i32
        %select_n3A_403 = arith.select %lt3A_401, %jit3A_402, %while3A_252 : i32
        %add3A_404 = arith.constant 1 : i32
        %add3A_405 = arith.addi %while3A_249, %add3A_404 : i32
        %reduce_max3A_406 = arith.constant true
        %reduce_max3A_407 = vector.broadcast %reduce_max3A_406 : i1 to vector<16xi1>
        %reduce_max3A_408 = arith.constant -2147483648 : i32
        %reduce_max3A_409 = vector.broadcast %reduce_max3A_408 : i32 to vector<16xi32>
        %reduce_max3A_410 = arith.xori %masked_cumsum3A_373, %reduce_max3A_409 : vector<16xi32>
        %reduce_max3A_411 = tpu.scan <max>, %reduce_max3A_410 masked %reduce_max3A_407 : vector<16xi32>, vector<16xi1> -> vector<16xi32>
        %reduce_max3A_412 = arith.xori %reduce_max3A_411, %reduce_max3A_409 : vector<16xi32>
        %reduce_max3A_413 = vector.extract %reduce_max3A_412[15] : i32 from vector<16xi32>
        %add3A_414 = arith.addi %while3A_250, %reduce_max3A_413 : i32
        scf.yield %add3A_405, %add3A_414, %select_n3A_399, %select_n3A_403 : i32, i32, i32, i32
      }
      %sub3A = arith.constant 512 : i32
      %sub3A_42 = arith.subi %while3A_41#2, %sub3A : i32
      %shift_left3A = arith.constant 22 : i32
      %shift_left3A_43 = arith.shli %sub3A_42, %shift_left3A : i32
      %ge3A = arith.constant 0 : i32
      %ge3A_44 = arith.cmpi sge, %shift_left3A_43, %ge3A : i32
      %xor3A = arith.constant 2147483647 : i32
      %xor3A_45 = arith.xori %shift_left3A_43, %xor3A : i32
      %select_n3A = arith.select %ge3A_44, %shift_left3A_43, %xor3A_45 : i32
      %bitcast_convert_type3A = arith.bitcast %select_n3A : i32 to f32
      %parallel_loop3A_46 = arith.constant 0 : i32
      %parallel_loop3A_47 = arith.constant 100000 : i32
      %parallel_loop3A_48 = arith.constant 16 : i32
      %parallel_loop3A_49 = scf.for %parallel_loop3A_249 = %parallel_loop3A_46 to %parallel_loop3A_47 step %parallel_loop3A_48 iter_args(%parallel_loop3A_250 = %broadcast_in_dim3A_3) -> (vector<16xi32>)  : i32 {
        %parallel_loop3A_251 = arith.index_cast %parallel_loop3A_249 : i32 to index
        %parallel_loop3A_252 = tpu.vector_load %arg5[%parallel_loop3A_251] {strides = array<i32>} : memref<100000xf32, #tpu.memory_space<vmem>>, vector<16xf32>,
        %parallel_loop3A_253 = vector.broadcast %bitcast_convert_type3A : f32 to vector<16xf32>
        %parallel_loop3A_254 = arith.cmpf oge, %parallel_loop3A_252, %parallel_loop3A_253 : vector<16xf32>
        %parallel_loop3A_255 = arith.extui %parallel_loop3A_254 : vector<16xi1> to vector<16xi32>
        %parallel_loop3A_256 = arith.constant true
        %parallel_loop3A_257 = vector.broadcast %parallel_loop3A_256 : i1 to vector<16xi1>
        %parallel_loop3A_258 = tpu.scan <sum>, %parallel_loop3A_255 masked %parallel_loop3A_257 : vector<16xi32>, vector<16xi1> -> vector<16xi32>
        %parallel_loop3A_259 = arith.subi %parallel_loop3A_258, %parallel_loop3A_255 : vector<16xi32>
        %parallel_loop3A_260 = arith.addi %parallel_loop3A_250, %parallel_loop3A_259 : vector<16xi32>
        %parallel_loop3A_261 = arith.constant 2047 : i32
        %parallel_loop3A_262 = vector.broadcast %parallel_loop3A_261 : i32 to vector<16xi32>
        %parallel_loop3A_263 = arith.minsi %parallel_loop3A_260, %parallel_loop3A_262 : vector<16xi32>
        %parallel_loop3A_264 = vector.broadcast %parallel_loop3A_249 : i32 to vector<16xi32>
        %parallel_loop3A_265 = arith.addi %iota3A, %parallel_loop3A_264 : vector<16xi32>
        tpu.vector_store_idx %arg7[%parallel_loop3A_263], %parallel_loop3A_265 masked %parallel_loop3A_254 : memref<2048xi32, #tpu.memory_space<vmem>>[vector<16xi32>], vector<16xi32>, vector<16xi1>
        %parallel_loop3A_266 = tpu.all_reduce %parallel_loop3A_254 {dim = 0 : i64, kind = #tpu.reduction_kind<sum>} : vector<16xi1> -> vector<16xi32>
        %parallel_loop3A_267 = arith.addi %parallel_loop3A_250, %parallel_loop3A_266 : vector<16xi32>
        scf.yield %parallel_loop3A_267 : vector<16xi32>
      } {sc.loop_unroll_factor = 8 : i64, sc.parallel_access}
      %reduce_max3A = arith.constant true
      %reduce_max3A_50 = vector.broadcast %reduce_max3A : i1 to vector<16xi1>
      %reduce_max3A_51 = arith.constant -2147483648 : i32
      %reduce_max3A_52 = vector.broadcast %reduce_max3A_51 : i32 to vector<16xi32>
      %reduce_max3A_53 = arith.xori %parallel_loop3A_49, %reduce_max3A_52 : vector<16xi32>
      %reduce_max3A_54 = tpu.scan <max>, %reduce_max3A_53 masked %reduce_max3A_50 : vector<16xi32>, vector<16xi1> -> vector<16xi32>
      %reduce_max3A_55 = arith.xori %reduce_max3A_54, %reduce_max3A_52 : vector<16xi32>
      %reduce_max3A_56 = vector.extract %reduce_max3A_55[15] : i32 from vector<16xi32>
      %add3A_57 = arith.constant 15 : i32
      %add3A_58 = arith.addi %reduce_max3A_56, %add3A_57 : i32
      %jit3A = arith.constant 16 : i32
      %div3A = arith.divsi %add3A_58, %jit3A : i32
      %sign3A = arith.constant 0 : i32
      %sign3A_59 = arith.cmpi sgt, %add3A_58, %sign3A : i32
      %sign3A_60 = arith.extui %sign3A_59 : i1 to i32
      %sign3A_61 = arith.constant 0 : i32
      %sign3A_62 = arith.cmpi slt, %add3A_58, %sign3A_61 : i32
      %sign3A_63 = arith.extui %sign3A_62 : i1 to i32
      %sign3A_64 = arith.subi %sign3A_60, %sign3A_63 : i32
      %sign3A_65 = arith.constant 0 : i32
      %sign3A_66 = arith.cmpi sgt, %jit3A, %sign3A_65 : i32
      %sign3A_67 = arith.extui %sign3A_66 : i1 to i32
      %sign3A_68 = arith.constant 0 : i32
      %sign3A_69 = arith.cmpi slt, %jit3A, %sign3A_68 : i32
      %sign3A_70 = arith.extui %sign3A_69 : i1 to i32
      %sign3A_71 = arith.subi %sign3A_67, %sign3A_70 : i32
      %ne3A = arith.cmpi ne, %sign3A_64, %sign3A_71 : i32
      %rem3A = arith.remsi %add3A_58, %jit3A : i32
      %ne3A_72 = arith.constant 0 : i32
      %ne3A_73 = arith.cmpi ne, %rem3A, %ne3A_72 : i32
      %and3A = arith.andi %ne3A, %ne3A_73 : i1
      %sub3A_74 = arith.constant 1 : i32
      %sub3A_75 = arith.subi %div3A, %sub3A_74 : i32
      %select_n3A_76 = arith.select %and3A, %sub3A_75, %div3A : i32
      %broadcast_in_dim3A_77 = arith.constant -1.000000e+30 : f32
      %broadcast_in_dim3A_78 = vector.broadcast %broadcast_in_dim3A_77 : f32 to vector<16xf32>
      %swap3A = arith.constant 0 : index
      %swap3A_79 = tpu.vector_load %arg8[%swap3A] {strides = array<i32>} : memref<64xf32, #tpu.memory_space<vmem>>, vector<16xf32>,
      tpu.vector_store %arg8[%swap3A], %broadcast_in_dim3A_78 {strides = array<i32>} : memref<64xf32, #tpu.memory_space<vmem>>, vector<16xf32>,
      %swap3A_80 = arith.constant 16 : index
      %swap3A_81 = tpu.vector_load %arg8[%swap3A_80] {strides = array<i32>} : memref<64xf32, #tpu.memory_space<vmem>>, vector<16xf32>,
      tpu.vector_store %arg8[%swap3A_80], %broadcast_in_dim3A_78 {strides = array<i32>} : memref<64xf32, #tpu.memory_space<vmem>>, vector<16xf32>,
      %swap3A_82 = arith.constant 32 : index
      %swap3A_83 = tpu.vector_load %arg8[%swap3A_82] {strides = array<i32>} : memref<64xf32, #tpu.memory_space<vmem>>, vector<16xf32>,
      tpu.vector_store %arg8[%swap3A_82], %broadcast_in_dim3A_78 {strides = array<i32>} : memref<64xf32, #tpu.memory_space<vmem>>, vector<16xf32>,
      %swap3A_84 = arith.constant 48 : index
      %swap3A_85 = tpu.vector_load %arg8[%swap3A_84] {strides = array<i32>} : memref<64xf32, #tpu.memory_space<vmem>>, vector<16xf32>,
      tpu.vector_store %arg8[%swap3A_84], %broadcast_in_dim3A_78 {strides = array<i32>} : memref<64xf32, #tpu.memory_space<vmem>>, vector<16xf32>,
      %scan3A_86 = arith.constant 0 : i32
      %scan3A_87 = arith.constant 0 : i32
      %scan3A_88 = arith.constant 50 : i32
      %scan3A_89 = arith.addi %scan3A_87, %scan3A_88 : i32
      %scan3A_90 = arith.constant 1 : i32
      scf.for %scan3A_249 = %scan3A_87 to %scan3A_89 step %scan3A_90  : i32 {
        %mul3A_250 = arith.constant 16 : i32
        %mul3A_251 = arith.muli %select_n3A_76, %mul3A_250 : i32
        %broadcast_in_dim3A_252 = arith.constant -2147483648 : i32
        %broadcast_in_dim3A_253 = vector.broadcast %broadcast_in_dim3A_252 : i32 to vector<16xi32>
        %broadcast_in_dim3A_254 = arith.constant 1073741824 : i32
        %broadcast_in_dim3A_255 = vector.broadcast %broadcast_in_dim3A_254 : i32 to vector<16xi32>
        %parallel_loop3A_256 = arith.constant 0 : i32
        %parallel_loop3A_257 = arith.constant 16 : i32
        %parallel_loop3A_258:2 = scf.for %parallel_loop3A_287 = %parallel_loop3A_256 to %mul3A_251 step %parallel_loop3A_257 iter_args(%parallel_loop3A_288 = %broadcast_in_dim3A_253, %parallel_loop3A_289 = %broadcast_in_dim3A_255) -> (vector<16xi32>, vector<16xi32>)  : i32 {
          %parallel_loop3A_290 = vector.broadcast %parallel_loop3A_287 : i32 to vector<16xi32>
          %parallel_loop3A_291 = arith.addi %iota3A, %parallel_loop3A_290 : vector<16xi32>
          %parallel_loop3A_292 = vector.broadcast %reduce_max3A_56 : i32 to vector<16xi32>
          %parallel_loop3A_293 = arith.cmpi slt, %parallel_loop3A_291, %parallel_loop3A_292 : vector<16xi32>
          %parallel_loop3A_294 = arith.index_cast %parallel_loop3A_287 : i32 to index
          %parallel_loop3A_295 = tpu.vector_load %arg7[%parallel_loop3A_294] {strides = array<i32>} : memref<2048xi32, #tpu.memory_space<vmem>>, vector<16xi32>,
          %parallel_loop3A_296 = tpu.vector_load_idx %arg5[%parallel_loop3A_295] masked %parallel_loop3A_293 : memref<100000xf32, #tpu.memory_space<vmem>>[vector<16xi32>], vector<16xf32>, vector<16xi1>
          %parallel_loop3A_297 = tpu.bitcast %parallel_loop3A_296 : vector<16xf32> -> vector<16xi32>
          %parallel_loop3A_298 = arith.constant 31 : i32
          %parallel_loop3A_299 = vector.broadcast %parallel_loop3A_298 : i32 to vector<16xi32>
          %parallel_loop3A_300 = arith.shrsi %parallel_loop3A_297, %parallel_loop3A_299 : vector<16xi32>
          %parallel_loop3A_301 = arith.constant 2147483647 : i32
          %parallel_loop3A_302 = vector.broadcast %parallel_loop3A_301 : i32 to vector<16xi32>
          %parallel_loop3A_303 = arith.andi %parallel_loop3A_300, %parallel_loop3A_302 : vector<16xi32>
          %parallel_loop3A_304 = arith.xori %parallel_loop3A_297, %parallel_loop3A_303 : vector<16xi32>
          %parallel_loop3A_305 = arith.constant -2147483648 : i32
          %parallel_loop3A_306 = vector.broadcast %parallel_loop3A_305 : i32 to vector<16xi32>
          %parallel_loop3A_307 = arith.select %parallel_loop3A_293, %parallel_loop3A_304, %parallel_loop3A_306 : vector<16xi1>, vector<16xi32>
          %parallel_loop3A_308 = arith.cmpi sgt, %parallel_loop3A_307, %parallel_loop3A_288 : vector<16xi32>
          %parallel_loop3A_309 = arith.select %parallel_loop3A_308, %parallel_loop3A_307, %parallel_loop3A_288 : vector<16xi1>, vector<16xi32>
          %parallel_loop3A_310 = arith.select %parallel_loop3A_308, %parallel_loop3A_291, %parallel_loop3A_289 : vector<16xi1>, vector<16xi32>
          scf.yield %parallel_loop3A_309, %parallel_loop3A_310 : vector<16xi32>, vector<16xi32>
        } {sc.loop_unroll_factor = 4 : i64, sc.parallel_access}
        %reduce_max3A_259 = arith.constant true
        %reduce_max3A_260 = vector.broadcast %reduce_max3A_259 : i1 to vector<16xi1>
        %reduce_max3A_261 = arith.constant -2147483648 : i32
        %reduce_max3A_262 = vector.broadcast %reduce_max3A_261 : i32 to vector<16xi32>
        %reduce_max3A_263 = arith.xori %parallel_loop3A_258#0, %reduce_max3A_262 : vector<16xi32>
        %reduce_max3A_264 = tpu.scan <max>, %reduce_max3A_263 masked %reduce_max3A_260 : vector<16xi32>, vector<16xi1> -> vector<16xi32>
        %reduce_max3A_265 = arith.xori %reduce_max3A_264, %reduce_max3A_262 : vector<16xi32>
        %reduce_max3A_266 = vector.extract %reduce_max3A_265[15] : i32 from vector<16xi32>
        %eq3A_267 = vector.broadcast %reduce_max3A_266 : i32 to vector<16xi32>
        %eq3A_268 = arith.cmpi eq, %parallel_loop3A_258#0, %eq3A_267 : vector<16xi32>
        %jit3A_269 = arith.constant 1073741824 : i32
        %broadcast_in_dim3A_270 = vector.broadcast %jit3A_269 : i32 to vector<16xi32>
        %select_n3A_271 = arith.select %eq3A_268, %parallel_loop3A_258#1, %broadcast_in_dim3A_270 : vector<16xi1>, vector<16xi32>
        %reduce_min3A = arith.constant true
        %reduce_min3A_272 = vector.broadcast %reduce_min3A : i1 to vector<16xi1>
        %reduce_min3A_273 = arith.constant -2147483648 : i32
        %reduce_min3A_274 = vector.broadcast %reduce_min3A_273 : i32 to vector<16xi32>
        %reduce_min3A_275 = arith.xori %select_n3A_271, %reduce_min3A_274 : vector<16xi32>
        %reduce_min3A_276 = tpu.scan <min>, %reduce_min3A_275 masked %reduce_min3A_272 : vector<16xi32>, vector<16xi1> -> vector<16xi32>
        %reduce_min3A_277 = arith.xori %reduce_min3A_276, %reduce_min3A_274 : vector<16xi32>
        %reduce_min3A_278 = vector.extract %reduce_min3A_277[15] : i32 from vector<16xi32>
        %add3A_279 = vector.broadcast %reduce_min3A_278 : i32 to vector<16xi32>
        %add3A_280 = arith.addi %broadcast_in_dim3A_3, %add3A_279 : vector<16xi32>
        %gather3A_281 = tpu.vector_load_idx %arg7[%add3A_280] : memref<2048xi32, #tpu.memory_space<vmem>>[vector<16xi32>], vector<16xi32>,
        %gather3A_282 = tpu.vector_load_idx %arg5[%gather3A_281] : memref<100000xf32, #tpu.memory_space<vmem>>[vector<16xi32>], vector<16xf32>,
        %add3A_283 = vector.broadcast %scan3A_249 : i32 to vector<16xi32>
        %add3A_284 = arith.addi %broadcast_in_dim3A_3, %add3A_283 : vector<16xi32>
        tpu.vector_store_idx %arg8[%add3A_284], %gather3A_282 masked %eq3A_2 : memref<64xf32, #tpu.memory_space<vmem>>[vector<16xi32>], vector<16xf32>, vector<16xi1>
        tpu.vector_store_idx %arg9[%add3A_284], %gather3A_281 masked %eq3A_2 : memref<64xi32, #tpu.memory_space<vmem>>[vector<16xi32>], vector<16xi32>, vector<16xi1>
        %broadcast_in_dim3A_285 = arith.constant -3.000000e+38 : f32
        %broadcast_in_dim3A_286 = vector.broadcast %broadcast_in_dim3A_285 : f32 to vector<16xf32>
        tpu.vector_store_idx %arg5[%gather3A_281], %broadcast_in_dim3A_286 masked %eq3A_2 : memref<100000xf32, #tpu.memory_space<vmem>>[vector<16xi32>], vector<16xf32>, vector<16xi1>
      }
      %scan3A_91 = arith.constant 50 : i32
      %lt3A = arith.constant 3 : i32
      %lt3A_92 = arith.cmpi slt, %scan3A_24, %lt3A : i32
      %convert_element_type3A = arith.extui %lt3A_92 : i1 to i32
      %cond3A = arith.constant 0 : i32
      %cond3A_93 = arith.cmpi ne, %convert_element_type3A, %cond3A : i32
      scf.if %cond3A_93 {
        %add3A_249 = arith.constant 1 : i32
        %add3A_250 = arith.addi %add3A_27, %add3A_249 : i32
        %dma_start3A_251 = arith.constant 0 : i32
        %dma_start3A_252 = tpu.memref_slice %arg2[%add3A_250, %dma_start3A_251] : memref<128x100000xf32, #tpu.memory_space<hbm>> -> memref<1x100000xf32, #tpu.memory_space<hbm>>
        %dma_start3A_253 = tpu.memref_squeeze %dma_start3A_252 : memref<1x100000xf32, #tpu.memory_space<hbm>> -> memref<100000xf32, #tpu.memory_space<hbm>>
        %dma_start3A_254 = arith.constant 0 : i32
        %dma_start3A_255 = tpu.memref_slice %arg2[%add3A_250, %dma_start3A_254] : memref<128x100000xf32, #tpu.memory_space<hbm>> -> memref<1x100000xf32, #tpu.memory_space<hbm>>
        %dma_start3A_256 = tpu.memref_squeeze %dma_start3A_255 : memref<1x100000xf32, #tpu.memory_space<hbm>> -> memref<100000xf32, #tpu.memory_space<hbm>>
        tpu.enqueue_dma source(%dma_start3A_256 : memref<100000xf32, #tpu.memory_space<hbm>>) target(%arg5 : memref<100000xf32, #tpu.memory_space<vmem>>) target_semaphore(%arg13 : memref<!tpu.dma_semaphore, #tpu.memory_space<semaphore_mem>>)
      } else {
      }
      %get3A = arith.constant 0 : index
      %get3A_94 = tpu.vector_load %arg8[%get3A] {strides = array<i32>} : memref<64xf32, #tpu.memory_space<vmem>>, vector<16xf32>,
      %get3A_95 = arith.constant 16 : index
      %get3A_96 = tpu.vector_load %arg8[%get3A_95] {strides = array<i32>} : memref<64xf32, #tpu.memory_space<vmem>>, vector<16xf32>,
      %get3A_97 = arith.constant 32 : index
      %get3A_98 = tpu.vector_load %arg8[%get3A_97] {strides = array<i32>} : memref<64xf32, #tpu.memory_space<vmem>>, vector<16xf32>,
      %get3A_99 = arith.constant 48 : index
      %get3A_100 = tpu.vector_load %arg8[%get3A_99] {strides = array<i32>} : memref<64xf32, #tpu.memory_space<vmem>>, vector<16xf32>,
      %reduce_max3A_101 = arith.constant true
      %reduce_max3A_102 = vector.broadcast %reduce_max3A_101 : i1 to vector<16xi1>
      %reduce_max3A_103 = tpu.scan <max>, %get3A_94 masked %reduce_max3A_102 : vector<16xf32>, vector<16xi1> -> vector<16xf32>
      %reduce_max3A_104 = vector.extract %reduce_max3A_103[15] : f32 from vector<16xf32>
      %sub3A_105 = vector.broadcast %reduce_max3A_104 : f32 to vector<16xf32>
      %sub3A_106 = arith.subf %get3A_94, %sub3A_105 : vector<16xf32>
      %exp3A = math.exp %sub3A_106 : vector<16xf32>
      %sub3A_107 = vector.broadcast %reduce_max3A_104 : f32 to vector<16xf32>
      %sub3A_108 = arith.subf %get3A_96, %sub3A_107 : vector<16xf32>
      %exp3A_109 = math.exp %sub3A_108 : vector<16xf32>
      %sub3A_110 = vector.broadcast %reduce_max3A_104 : f32 to vector<16xf32>
      %sub3A_111 = arith.subf %get3A_98, %sub3A_110 : vector<16xf32>
      %exp3A_112 = math.exp %sub3A_111 : vector<16xf32>
      %sub3A_113 = vector.broadcast %reduce_max3A_104 : f32 to vector<16xf32>
      %sub3A_114 = arith.subf %get3A_100, %sub3A_113 : vector<16xf32>
      %exp3A_115 = math.exp %sub3A_114 : vector<16xf32>
      %add3A_116 = arith.addf %exp3A, %exp3A_109 : vector<16xf32>
      %add3A_117 = arith.addf %add3A_116, %exp3A_112 : vector<16xf32>
      %add3A_118 = arith.addf %add3A_117, %exp3A_115 : vector<16xf32>
      %reduce_sum3A = arith.constant true
      %reduce_sum3A_119 = vector.broadcast %reduce_sum3A : i1 to vector<16xi1>
      %reduce_sum3A_120 = tpu.scan <sum>, %add3A_118 masked %reduce_sum3A_119 : vector<16xf32>, vector<16xi1> -> vector<16xf32>
      %reduce_sum3A_121 = vector.extract %reduce_sum3A_120[15] : f32 from vector<16xf32>
      %broadcast_in_dim3A_122 = arith.constant 0.000000e+00 : f32
      %broadcast_in_dim3A_123 = vector.broadcast %broadcast_in_dim3A_122 : f32 to vector<16xf32>
      %swap3A_124 = arith.constant 0 : index
      %swap3A_125 = tpu.vector_load %arg10[%swap3A_124] {strides = array<i32>} : memref<80xf32, #tpu.memory_space<vmem>>, vector<16xf32>,
      tpu.vector_store %arg10[%swap3A_124], %broadcast_in_dim3A_123 {strides = array<i32>} : memref<80xf32, #tpu.memory_space<vmem>>, vector<16xf32>,
      %div3A_126 = vector.broadcast %reduce_sum3A_121 : f32 to vector<16xf32>
      %div3A_127 = arith.divf %exp3A, %div3A_126 : vector<16xf32>
      %swap3A_128 = arith.constant 16 : index
      %swap3A_129 = tpu.vector_load %arg10[%swap3A_128] {strides = array<i32>} : memref<80xf32, #tpu.memory_space<vmem>>, vector<16xf32>,
      tpu.vector_store %arg10[%swap3A_128], %div3A_127 {strides = array<i32>} : memref<80xf32, #tpu.memory_space<vmem>>, vector<16xf32>,
      %div3A_130 = vector.broadcast %reduce_sum3A_121 : f32 to vector<16xf32>
      %div3A_131 = arith.divf %exp3A_109, %div3A_130 : vector<16xf32>
      %swap3A_132 = arith.constant 32 : index
      %swap3A_133 = tpu.vector_load %arg10[%swap3A_132] {strides = array<i32>} : memref<80xf32, #tpu.memory_space<vmem>>, vector<16xf32>,
      tpu.vector_store %arg10[%swap3A_132], %div3A_131 {strides = array<i32>} : memref<80xf32, #tpu.memory_space<vmem>>, vector<16xf32>,
      %div3A_134 = vector.broadcast %reduce_sum3A_121 : f32 to vector<16xf32>
      %div3A_135 = arith.divf %exp3A_112, %div3A_134 : vector<16xf32>
      %swap3A_136 = arith.constant 48 : index
      %swap3A_137 = tpu.vector_load %arg10[%swap3A_136] {strides = array<i32>} : memref<80xf32, #tpu.memory_space<vmem>>, vector<16xf32>,
      tpu.vector_store %arg10[%swap3A_136], %div3A_135 {strides = array<i32>} : memref<80xf32, #tpu.memory_space<vmem>>, vector<16xf32>,
      %div3A_138 = vector.broadcast %reduce_sum3A_121 : f32 to vector<16xf32>
      %div3A_139 = arith.divf %exp3A_115, %div3A_138 : vector<16xf32>
      %swap3A_140 = arith.constant 64 : index
      %swap3A_141 = tpu.vector_load %arg10[%swap3A_140] {strides = array<i32>} : memref<80xf32, #tpu.memory_space<vmem>>, vector<16xf32>,
      tpu.vector_store %arg10[%swap3A_140], %div3A_139 {strides = array<i32>} : memref<80xf32, #tpu.memory_space<vmem>>, vector<16xf32>,
      %get3A_142 = arith.constant 15 : index
      %get3A_143 = tpu.vector_load %arg10[%get3A_142] {strides = array<i32>} : memref<80xf32, #tpu.memory_space<vmem>>, vector<16xf32>,
      %broadcast_in_dim3A_144 = arith.constant true
      %broadcast_in_dim3A_145 = vector.broadcast %broadcast_in_dim3A_144 : i1 to vector<16xi1>
      %masked_cumsum3A = tpu.scan <sum>, %get3A_143 masked %broadcast_in_dim3A_145 : vector<16xf32>, vector<16xi1> -> vector<16xf32>
      %add3A_146 = arith.constant 0.000000e+00 : f32
      %add3A_147 = vector.broadcast %add3A_146 : f32 to vector<16xf32>
      %add3A_148 = arith.addf %masked_cumsum3A, %add3A_147 : vector<16xf32>
      %reduce_max3A_149 = arith.constant true
      %reduce_max3A_150 = vector.broadcast %reduce_max3A_149 : i1 to vector<16xi1>
      %reduce_max3A_151 = tpu.scan <max>, %add3A_148 masked %reduce_max3A_150 : vector<16xf32>, vector<16xi1> -> vector<16xf32>
      %reduce_max3A_152 = vector.extract %reduce_max3A_151[15] : f32 from vector<16xf32>
      %le3A = arith.constant 0.899999976 : f32
      %le3A_153 = vector.broadcast %le3A : f32 to vector<16xf32>
      %le3A_154 = arith.cmpf ole, %add3A_148, %le3A_153 : vector<16xf32>
      %add3A_155 = arith.constant 0 : i32
      %add3A_156 = vector.broadcast %add3A_155 : i32 to vector<16xi32>
      %add3A_157 = arith.addi %iota3A, %add3A_156 : vector<16xi32>
      %lt3A_158 = arith.constant 50 : i32
      %lt3A_159 = vector.broadcast %lt3A_158 : i32 to vector<16xi32>
      %lt3A_160 = arith.cmpi slt, %add3A_157, %lt3A_159 : vector<16xi32>
      %and3A_161 = arith.andi %le3A_154, %lt3A_160 : vector<16xi1>
      %all_reduce_population_count3A = tpu.all_reduce %and3A_161 {dim = 0 : i64, kind = #tpu.reduction_kind<sum>} : vector<16xi1> -> vector<16xi32>
      %add3A_162 = arith.addi %broadcast_in_dim3A_3, %all_reduce_population_count3A : vector<16xi32>
      %get3A_163 = arith.constant 31 : index
      %get3A_164 = tpu.vector_load %arg10[%get3A_163] {strides = array<i32>} : memref<80xf32, #tpu.memory_space<vmem>>, vector<16xf32>,
      %broadcast_in_dim3A_165 = arith.constant true
      %broadcast_in_dim3A_166 = vector.broadcast %broadcast_in_dim3A_165 : i1 to vector<16xi1>
      %masked_cumsum3A_167 = tpu.scan <sum>, %get3A_164 masked %broadcast_in_dim3A_166 : vector<16xf32>, vector<16xi1> -> vector<16xf32>
      %add3A_168 = vector.broadcast %reduce_max3A_152 : f32 to vector<16xf32>
      %add3A_169 = arith.addf %masked_cumsum3A_167, %add3A_168 : vector<16xf32>
      %reduce_max3A_170 = arith.constant true
      %reduce_max3A_171 = vector.broadcast %reduce_max3A_170 : i1 to vector<16xi1>
      %reduce_max3A_172 = tpu.scan <max>, %add3A_169 masked %reduce_max3A_171 : vector<16xf32>, vector<16xi1> -> vector<16xf32>
      %reduce_max3A_173 = vector.extract %reduce_max3A_172[15] : f32 from vector<16xf32>
      %le3A_174 = arith.constant 0.899999976 : f32
      %le3A_175 = vector.broadcast %le3A_174 : f32 to vector<16xf32>
      %le3A_176 = arith.cmpf ole, %add3A_169, %le3A_175 : vector<16xf32>
      %add3A_177 = arith.constant 16 : i32
      %add3A_178 = vector.broadcast %add3A_177 : i32 to vector<16xi32>
      %add3A_179 = arith.addi %iota3A, %add3A_178 : vector<16xi32>
      %lt3A_180 = arith.constant 50 : i32
      %lt3A_181 = vector.broadcast %lt3A_180 : i32 to vector<16xi32>
      %lt3A_182 = arith.cmpi slt, %add3A_179, %lt3A_181 : vector<16xi32>
      %and3A_183 = arith.andi %le3A_176, %lt3A_182 : vector<16xi1>
      %all_reduce_population_count3A_184 = tpu.all_reduce %and3A_183 {dim = 0 : i64, kind = #tpu.reduction_kind<sum>} : vector<16xi1> -> vector<16xi32>
      %add3A_185 = arith.addi %add3A_162, %all_reduce_population_count3A_184 : vector<16xi32>
      %get3A_186 = arith.constant 47 : index
      %get3A_187 = tpu.vector_load %arg10[%get3A_186] {strides = array<i32>} : memref<80xf32, #tpu.memory_space<vmem>>, vector<16xf32>,
      %broadcast_in_dim3A_188 = arith.constant true
      %broadcast_in_dim3A_189 = vector.broadcast %broadcast_in_dim3A_188 : i1 to vector<16xi1>
      %masked_cumsum3A_190 = tpu.scan <sum>, %get3A_187 masked %broadcast_in_dim3A_189 : vector<16xf32>, vector<16xi1> -> vector<16xf32>
      %add3A_191 = vector.broadcast %reduce_max3A_173 : f32 to vector<16xf32>
      %add3A_192 = arith.addf %masked_cumsum3A_190, %add3A_191 : vector<16xf32>
      %reduce_max3A_193 = arith.constant true
      %reduce_max3A_194 = vector.broadcast %reduce_max3A_193 : i1 to vector<16xi1>
      %reduce_max3A_195 = tpu.scan <max>, %add3A_192 masked %reduce_max3A_194 : vector<16xf32>, vector<16xi1> -> vector<16xf32>
      %reduce_max3A_196 = vector.extract %reduce_max3A_195[15] : f32 from vector<16xf32>
      %le3A_197 = arith.constant 0.899999976 : f32
      %le3A_198 = vector.broadcast %le3A_197 : f32 to vector<16xf32>
      %le3A_199 = arith.cmpf ole, %add3A_192, %le3A_198 : vector<16xf32>
      %add3A_200 = arith.constant 32 : i32
      %add3A_201 = vector.broadcast %add3A_200 : i32 to vector<16xi32>
      %add3A_202 = arith.addi %iota3A, %add3A_201 : vector<16xi32>
      %lt3A_203 = arith.constant 50 : i32
      %lt3A_204 = vector.broadcast %lt3A_203 : i32 to vector<16xi32>
      %lt3A_205 = arith.cmpi slt, %add3A_202, %lt3A_204 : vector<16xi32>
      %and3A_206 = arith.andi %le3A_199, %lt3A_205 : vector<16xi1>
      %all_reduce_population_count3A_207 = tpu.all_reduce %and3A_206 {dim = 0 : i64, kind = #tpu.reduction_kind<sum>} : vector<16xi1> -> vector<16xi32>
      %add3A_208 = arith.addi %add3A_185, %all_reduce_population_count3A_207 : vector<16xi32>
      %get3A_209 = arith.constant 63 : index
      %get3A_210 = tpu.vector_load %arg10[%get3A_209] {strides = array<i32>} : memref<80xf32, #tpu.memory_space<vmem>>, vector<16xf32>,
      %broadcast_in_dim3A_211 = arith.constant true
      %broadcast_in_dim3A_212 = vector.broadcast %broadcast_in_dim3A_211 : i1 to vector<16xi1>
      %masked_cumsum3A_213 = tpu.scan <sum>, %get3A_210 masked %broadcast_in_dim3A_212 : vector<16xf32>, vector<16xi1> -> vector<16xf32>
      %add3A_214 = vector.broadcast %reduce_max3A_196 : f32 to vector<16xf32>
      %add3A_215 = arith.addf %masked_cumsum3A_213, %add3A_214 : vector<16xf32>
      %reduce_max3A_216 = arith.constant true
      %reduce_max3A_217 = vector.broadcast %reduce_max3A_216 : i1 to vector<16xi1>
      %reduce_max3A_218 = tpu.scan <max>, %add3A_215 masked %reduce_max3A_217 : vector<16xf32>, vector<16xi1> -> vector<16xf32>
      %reduce_max3A_219 = vector.extract %reduce_max3A_218[15] : f32 from vector<16xf32>
      %le3A_220 = arith.constant 0.899999976 : f32
      %le3A_221 = vector.broadcast %le3A_220 : f32 to vector<16xf32>
      %le3A_222 = arith.cmpf ole, %add3A_215, %le3A_221 : vector<16xf32>
      %add3A_223 = arith.constant 48 : i32
      %add3A_224 = vector.broadcast %add3A_223 : i32 to vector<16xi32>
      %add3A_225 = arith.addi %iota3A, %add3A_224 : vector<16xi32>
      %lt3A_226 = arith.constant 50 : i32
      %lt3A_227 = vector.broadcast %lt3A_226 : i32 to vector<16xi32>
      %lt3A_228 = arith.cmpi slt, %add3A_225, %lt3A_227 : vector<16xi32>
      %and3A_229 = arith.andi %le3A_222, %lt3A_228 : vector<16xi1>
      %all_reduce_population_count3A_230 = tpu.all_reduce %and3A_229 {dim = 0 : i64, kind = #tpu.reduction_kind<sum>} : vector<16xi1> -> vector<16xi32>
      %add3A_231 = arith.addi %add3A_208, %all_reduce_population_count3A_230 : vector<16xi32>
      %reduce_max3A_232 = arith.constant true
      %reduce_max3A_233 = vector.broadcast %reduce_max3A_232 : i1 to vector<16xi1>
      %reduce_max3A_234 = arith.constant -2147483648 : i32
      %reduce_max3A_235 = vector.broadcast %reduce_max3A_234 : i32 to vector<16xi32>
      %reduce_max3A_236 = arith.xori %add3A_231, %reduce_max3A_235 : vector<16xi32>
      %reduce_max3A_237 = tpu.scan <max>, %reduce_max3A_236 masked %reduce_max3A_233 : vector<16xi32>, vector<16xi1> -> vector<16xi32>
      %reduce_max3A_238 = arith.xori %reduce_max3A_237, %reduce_max3A_235 : vector<16xi32>
      %reduce_max3A_239 = vector.extract %reduce_max3A_238[15] : i32 from vector<16xi32>
      %sub3A_240 = arith.constant 1 : i32
      %sub3A_241 = arith.subi %reduce_max3A_239, %sub3A_240 : i32
      %add3A_242 = vector.broadcast %sub3A_241 : i32 to vector<16xi32>
      %add3A_243 = arith.addi %broadcast_in_dim3A_3, %add3A_242 : vector<16xi32>
      %gather3A = tpu.vector_load_idx %arg8[%add3A_243] : memref<64xf32, #tpu.memory_space<vmem>>[vector<16xi32>], vector<16xf32>,
      %gather3A_244 = tpu.vector_load_idx %arg9[%add3A_243] : memref<64xi32, #tpu.memory_space<vmem>>[vector<16xi32>], vector<16xi32>,
      %add3A_245 = vector.broadcast %scan3A_24 : i32 to vector<16xi32>
      %add3A_246 = arith.addi %broadcast_in_dim3A_3, %add3A_245 : vector<16xi32>
      tpu.vector_store_idx %arg11[%add3A_246], %gather3A masked %eq3A_2 : memref<8xf32, #tpu.memory_space<vmem>>[vector<16xi32>], vector<16xf32>, vector<16xi1>
      %add3A_247 = vector.broadcast %scan3A_24 : i32 to vector<16xi32>
      %add3A_248 = arith.addi %broadcast_in_dim3A_3, %add3A_247 : vector<16xi32>
      tpu.vector_store_idx %arg12[%add3A_248], %gather3A_244 masked %eq3A_2 : memref<8xi32, #tpu.memory_space<vmem>>[vector<16xi32>], vector<16xi32>, vector<16xi1>
    }
    %scan3A_23 = arith.constant 4 : i32
    "tpu.region"() ({
      %run_scoped3A = tpu.sem_alloc : memref<!tpu.dma_semaphore, #tpu.memory_space<semaphore_mem>>
      %dma_start3A_24 = arith.constant 0 : i32
      %dma_start3A_25 = tpu.memref_slice %arg3[%add3A, %dma_start3A_24] : memref<32x8xf32, #tpu.memory_space<hbm>> -> memref<1x8xf32, #tpu.memory_space<hbm>>
      %dma_start3A_26 = tpu.memref_squeeze %dma_start3A_25 : memref<1x8xf32, #tpu.memory_space<hbm>> -> memref<8xf32, #tpu.memory_space<hbm>>
      %dma_start3A_27 = arith.constant 0 : i32
      %dma_start3A_28 = tpu.memref_slice %arg3[%add3A, %dma_start3A_27] : memref<32x8xf32, #tpu.memory_space<hbm>> -> memref<1x8xf32, #tpu.memory_space<hbm>>
      %dma_start3A_29 = tpu.memref_squeeze %dma_start3A_28 : memref<1x8xf32, #tpu.memory_space<hbm>> -> memref<8xf32, #tpu.memory_space<hbm>>
      tpu.enqueue_dma source(%arg11 : memref<8xf32, #tpu.memory_space<vmem>>) target(%dma_start3A_29 : memref<8xf32, #tpu.memory_space<hbm>>) target_semaphore(%run_scoped3A : memref<!tpu.dma_semaphore, #tpu.memory_space<semaphore_mem>>)
      %dma_wait3A = arith.constant 0 : i32
      %dma_wait3A_30 = tpu.memref_slice %arg3[%add3A, %dma_wait3A] : memref<32x8xf32, #tpu.memory_space<hbm>> -> memref<1x8xf32, #tpu.memory_space<hbm>>
      %dma_wait3A_31 = tpu.memref_squeeze %dma_wait3A_30 : memref<1x8xf32, #tpu.memory_space<hbm>> -> memref<8xf32, #tpu.memory_space<hbm>>
      %dma_wait3A_32 = arith.constant 0 : i32
      %dma_wait3A_33 = tpu.memref_slice %arg3[%add3A, %dma_wait3A_32] : memref<32x8xf32, #tpu.memory_space<hbm>> -> memref<1x8xf32, #tpu.memory_space<hbm>>
      %dma_wait3A_34 = tpu.memref_squeeze %dma_wait3A_33 : memref<1x8xf32, #tpu.memory_space<hbm>> -> memref<8xf32, #tpu.memory_space<hbm>>
      tpu.wait_dma2 semaphore(%run_scoped3A : memref<!tpu.dma_semaphore, #tpu.memory_space<semaphore_mem>>) src(%arg11 : memref<8xf32, #tpu.memory_space<vmem>>) dst(%dma_wait3A_34 : memref<8xf32, #tpu.memory_space<hbm>>)
      tpu.yield
    }) : () -> ()
    "tpu.region"() ({
      %run_scoped3A = tpu.sem_alloc : memref<!tpu.dma_semaphore, #tpu.memory_space<semaphore_mem>>
      %dma_start3A_24 = arith.constant 0 : i32
      %dma_start3A_25 = tpu.memref_slice %arg4[%add3A, %dma_start3A_24] : memref<32x8xi32, #tpu.memory_space<hbm>> -> memref<1x8xi32, #tpu.memory_space<hbm>>
      %dma_start3A_26 = tpu.memref_squeeze %dma_start3A_25 : memref<1x8xi32, #tpu.memory_space<hbm>> -> memref<8xi32, #tpu.memory_space<hbm>>
      %dma_start3A_27 = arith.constant 0 : i32
      %dma_start3A_28 = tpu.memref_slice %arg4[%add3A, %dma_start3A_27] : memref<32x8xi32, #tpu.memory_space<hbm>> -> memref<1x8xi32, #tpu.memory_space<hbm>>
      %dma_start3A_29 = tpu.memref_squeeze %dma_start3A_28 : memref<1x8xi32, #tpu.memory_space<hbm>> -> memref<8xi32, #tpu.memory_space<hbm>>
      tpu.enqueue_dma source(%arg12 : memref<8xi32, #tpu.memory_space<vmem>>) target(%dma_start3A_29 : memref<8xi32, #tpu.memory_space<hbm>>) target_semaphore(%run_scoped3A : memref<!tpu.dma_semaphore, #tpu.memory_space<semaphore_mem>>)
      %dma_wait3A = arith.constant 0 : i32
      %dma_wait3A_30 = tpu.memref_slice %arg4[%add3A, %dma_wait3A] : memref<32x8xi32, #tpu.memory_space<hbm>> -> memref<1x8xi32, #tpu.memory_space<hbm>>
      %dma_wait3A_31 = tpu.memref_squeeze %dma_wait3A_30 : memref<1x8xi32, #tpu.memory_space<hbm>> -> memref<8xi32, #tpu.memory_space<hbm>>
      %dma_wait3A_32 = arith.constant 0 : i32
      %dma_wait3A_33 = tpu.memref_slice %arg4[%add3A, %dma_wait3A_32] : memref<32x8xi32, #tpu.memory_space<hbm>> -> memref<1x8xi32, #tpu.memory_space<hbm>>
      %dma_wait3A_34 = tpu.memref_squeeze %dma_wait3A_33 : memref<1x8xi32, #tpu.memory_space<hbm>> -> memref<8xi32, #tpu.memory_space<hbm>>
      tpu.wait_dma2 semaphore(%run_scoped3A : memref<!tpu.dma_semaphore, #tpu.memory_space<semaphore_mem>>) src(%arg12 : memref<8xi32, #tpu.memory_space<vmem>>) dst(%dma_wait3A_34 : memref<8xi32, #tpu.memory_space<hbm>>)
      tpu.yield
    }) : () -> ()
    return
  }
}

module attributes {stable_mosaic.version = 14 : i64} {
  func.func @_mask_body(%arg0: i32, %arg1: memref<10000x128xf32, #tpu.memory_space<vmem>>, %arg2: memref<128xf32, #tpu.memory_space<vmem>>, %arg3: memref<128xi32, #tpu.memory_space<vmem>>, %arg4: memref<10000x128xf32, #tpu.memory_space<vmem>>) attributes {dimension_semantics = [#tpu.dimension_semantics<arbitrary>], iteration_bounds = array<i64: 10>, scalar_prefetch = 0 : i64, scratch_operands = 0 : i64, tpu.core_type = #tpu.core_type<tc>, window_params = [{transform_indices = @transform_0, window_bounds = array<i64: 10000, 128>}, {pipeline_mode = #tpu.pipeline_mode<synchronous>, transform_indices = @transform_1, window_bounds = array<i64: 128>}, {pipeline_mode = #tpu.pipeline_mode<synchronous>, transform_indices = @transform_2, window_bounds = array<i64: 128>}, {transform_indices = @transform_3, window_bounds = array<i64: 10000, 128>}]} {
    %get3A = arith.constant 0 : index
    %get3A_0 = arith.constant 0 : index
    %get3A_1 = vector.load %arg1[%get3A, %get3A_0] : memref<10000x128xf32, #tpu.memory_space<vmem>>, vector<10000x128xf32>
    %get3A_2 = arith.constant 0 : index
    %get3A_3 = vector.load %arg2[%get3A_2] : memref<128xf32, #tpu.memory_space<vmem>>, vector<128xf32>
    %broadcast_in_dim3A = vector.shape_cast %get3A_3 : vector<128xf32> to vector<1x128xf32>
    %get3A_4 = arith.constant 0 : index
    %get3A_5 = vector.load %arg3[%get3A_4] : memref<128xi32, #tpu.memory_space<vmem>>, vector<128xi32>
    %broadcast_in_dim3A_6 = vector.shape_cast %get3A_5 : vector<128xi32> to vector<1x128xi32>
    %iota3A = tpu.iota {dimensions = array<i32: 0>} : vector<10000x128xi32>
    %mul3A = arith.constant 10000 : i32
    %mul3A_7 = arith.muli %arg0, %mul3A : i32
    %add3A = vector.broadcast %mul3A_7 : i32 to vector<10000x128xi32>
    %add3A_8 = arith.addi %iota3A, %add3A : vector<10000x128xi32>
    %gt3A = vector.broadcast %broadcast_in_dim3A : vector<1x128xf32> to vector<10000x128xf32>
    %gt3A_9 = arith.cmpf ogt, %get3A_1, %gt3A : vector<10000x128xf32>
    %eq3A = vector.broadcast %broadcast_in_dim3A : vector<1x128xf32> to vector<10000x128xf32>
    %eq3A_10 = arith.cmpf oeq, %get3A_1, %eq3A : vector<10000x128xf32>
    %le3A = vector.broadcast %broadcast_in_dim3A_6 : vector<1x128xi32> to vector<10000x128xi32>
    %le3A_11 = arith.cmpi sle, %add3A_8, %le3A : vector<10000x128xi32>
    %and3A = arith.andi %eq3A_10, %le3A_11 : vector<10000x128xi1>
    %or3A = arith.ori %gt3A_9, %and3A : vector<10000x128xi1>
    %jit3A = arith.constant -1.000000e+09 : f32
    %broadcast_in_dim3A_12 = vector.broadcast %jit3A : f32 to vector<10000x128xf32>
    %select_n3A = arith.select %or3A, %get3A_1, %broadcast_in_dim3A_12 : vector<10000x128xi1>, vector<10000x128xf32>
    %swap3A = arith.constant 0 : index
    %swap3A_13 = arith.constant 0 : index
    %swap3A_14 = vector.load %arg4[%swap3A, %swap3A_13] : memref<10000x128xf32, #tpu.memory_space<vmem>>, vector<10000x128xf32>
    tpu.vector_store %arg4[%swap3A, %swap3A_13], %select_n3A {strides = array<i32>} : memref<10000x128xf32, #tpu.memory_space<vmem>>, vector<10000x128xf32>,
    return
  }
  func.func @transform_0(%arg0: i32) -> (i32, i32) {
    %c0_i32 = arith.constant 0 : i32
    %c0_i32_0 = arith.constant 0 : i32
    return %arg0, %c0_i32 : i32, i32
  }
  func.func @transform_1(%arg0: i32) -> i32 {
    %c0_i32 = arith.constant 0 : i32
    %c0_i32_0 = arith.constant 0 : i32
    return %c0_i32 : i32
  }
  func.func @transform_2(%arg0: i32) -> i32 {
    %c0_i32 = arith.constant 0 : i32
    %c0_i32_0 = arith.constant 0 : i32
    return %c0_i32 : i32
  }
  func.func @transform_3(%arg0: i32) -> (i32, i32) {
    %c0_i32 = arith.constant 0 : i32
    %c0_i32_0 = arith.constant 0 : i32
    return %arg0, %c0_i32 : i32, i32
  }
}

</mosaic_0001>

<sc_bundles>
// kernel: kernel.4.cloned.1.call-start
scs
__scs_entry_jumppad:
0x0: {  	(pc) =	sbr.rel $0x88, $3  }
0x1: {  	(tag) =	ssettag $0x0;
	lr =	simm.s32 $0x1  }
0x2: {  	[smem:$0x3FA0] =	sst lr;
	_ =	strace $0xD0000000  }
0x3: {  	_ = 	snop  }
0x4: {  	_ = 	snop  }
0x5: {  	_ = 	snop  }
0x6: {  	_ = 	snop  }
0x7: {  	_ = 	snop  }
__scs_overlays_trampoline_lowered:
0x8: {  	[smem:$0x3FAF] =	sst s0  }
0x9: {  	[smem:$0x3FB0] =	sst s1  }
0xa: {  	[smem:$0x3FB1] =	sst s2  }
0xb: {  	[smem:$0x3FB2] =	sst s3  }
0xc: {  	[smem:$0x3FB3] =	sst s4  }
0xd: {  	[smem:$0x3FB4] =	sst s5  }
0xe: {  	[smem:$0x3FB5] =	sst s6  }
0xf: {  	[smem:$0x3FB6] =	sst s7  }
0x10: {  	[smem:$0x3FB7] =	sst s8  }
0x11: {  	[smem:$0x3FB8] =	sst s9;
	s0 =	simm.s32 @!p0 $0x0  }
0x12: {  	s1 =	sld [smem:$0x3F9E];
	s0 =	simm.s32 @p0 $0x1  }
0x13: {  	[smem:$0x3FB9] =	sst s0;
	s0 =	simm.s32 @!p1 $0x0  }
0x14: {  	s2 =	sld [smem:$0x3F9D];
	s0 =	simm.s32 @p1 $0x1  }
0x15: {  	[smem:$0x3FBA] =	sst s0;
	s0 =	simm.s32 @!p2 $0x0  }
0x16: {  	s3 =	sld [smem:$0x3FDB];
	s0 =	simm.s32 @p2 $0x1  }
0x17: {  	s4 =	simm.s32 $0x1BF5;
	[smem:$0x3FBC] =	sst s0  }
0x18: {  	s0 =	sld [smem:$0x3F9F];
	_ =	swait.ge [sflag:s4], $0x0  }
0x19: {  	s7 =	sld [smem:$0x3FA0]  }
0x1a: {  	s8 =	sadd.s32 $0xFFFFE003, lr  }
0x1b: {  	s9 =	sadd.s32 $0xFFFFFEF7, lr;
	s5 =	simm.s32 $0xFFFFFFFF;
	p2 =	slt.u32 s8, $0xFFFFF086  }
0x1c: {  	p1 =	slt.u32 s9, $0xF7A;
	s5 =	simm.s32 @!p2 $0x0  }
0x1d: {  	s5 =	simm.s32 @p1 $0x1;
	p0 =	seq.s32 s7, s2  }
0x1e: {  	s7 =	smul.u32 @!p0 $0xF7A, s2;
	p2 =	seq.s32 @!p0 s5, $0x0  }
0x1f: {  	s9 =	smul.u32 $0xF7A, s1;
	s8 =	simm.s32 @!p0 $0x1BF5;
	p2 =	por !p2, p0  }
0x20: {  	[sflag:s8] =	ssyncset.s32 @!p0 $0xFFFFF086;
	s6 =	sadd.s32 @!p0 s3, s7;
	s7 =	simm.s32 @!p0 $0x108  }
0x21: {  	s3 =	sadd.s32 s3, s9;
	s6 =	sadd.s32 @!p0 $0x88, s6;
	s7 =	simm.s32 @p2 $0x1082  }
0x22: {  	[simem:s7], [sflag:s8] =	dma.local @!p0 [hbm:s6], $0xF7A  }
0x23: {  	s9 =	sor.u32 $0xD0000000, s2;
	s6 =	simm.s32 $0x108;
	_ =	swait.ge @!p0 [sflag:s8], $0x0  }
0x24: {  	s3 =	sadd.s32 $0x88, s3;
	s6 =	simm.s32 @!p1 $0x1082;
	[sflag:s4] =	ssyncset.s32 $0xFFFFF086  }
0x25: {  	[simem:s6], [sflag:s4] =	dma.local [hbm:s3], $0xF7A  }
0x26: {  	[smem:$0x3FA0] =	sst s1;
	(tag) =	ssettag s2;
	_ =	strace s9  }
0x27: {  	s1 =	sld [smem:$0x3FB0]  }
0x28: {  	s2 =	sld [smem:$0x3FB1]  }
0x29: {  	s4 =	sld [smem:$0x3FB3]  }
0x2a: {  	p0 =	seq.s32 s5, $0x0;
	s5 =	sld [smem:$0x3FB4]  }
0x2b: {  	s6 =	sld [smem:$0x3FB5]  }
0x2c: {  	s7 =	sld [smem:$0x3FB6]  }
0x2d: {  	s3 =	simm.s32 $0x108;
	s8 =	sld [smem:$0x3FB7]  }
0x2e: {  	s3 =	simm.s32 @!p0 $0x1082;
	s9 =	sld [smem:$0x3FB8]  }
0x2f: {  	lr =	sadd.s32 s0, s3;
	s0 =	sld [smem:$0x3FAF]  }
0x30: {  	s3 =	sld [smem:$0x3FB2]  }
0x31: {  	[smem:$0x3FBB] =	sst s10  }
0x32: {  	s10 =	sld [smem:$0x3FB9];
	_ =	sdelay $0x3  }
0x33: {  	p0 =	seq.s32 s10, $0x1;
	s10 =	sld [smem:$0x3FBB];
	_ =	sdelay $0x3  }
0x34: {  	[smem:$0x3FBB] =	sst s10  }
0x35: {  	s10 =	sld [smem:$0x3FBA];
	_ =	sdelay $0x3  }
0x36: {  	p1 =	seq.s32 s10, $0x1;
	s10 =	sld [smem:$0x3FBB];
	_ =	sdelay $0x3  }
0x37: {  	[smem:$0x3FBB] =	sst s10  }
0x38: {  	s10 =	sld [smem:$0x3FBC]  }
0x39: {  	_ = 	snop;
	(pc) =	sbr.ind lr, $3  }
0x3a: {  	_ = 	snop  }
0x3b: {  	_ = 	snop  }
0x3c: {  	p2 =	seq.s32 s10, $0x1;
	s10 =	sld [smem:$0x3FBB]  }
0x3d: {  	_ =	shalt  }
0x3e: {  	_ =	shalt  }
0x3f: {  	_ =	shalt  }
0x40: {  	_ =	shalt  }
0x41: {  	_ =	shalt  }
0x42: {  	_ =	shalt  }
0x43: {  	_ =	shalt  }
0x44: {  	_ =	shalt  }
0x45: {  	_ =	shalt  }
0x46: {  	_ =	shalt  }
0x47: {  	_ =	shalt  }
0x48: {  	_ =	shalt  }
0x49: {  	_ =	shalt  }
0x4a: {  	_ =	shalt  }
0x4b: {  	_ =	shalt  }
0x4c: {  	_ =	shalt  }
0x4d: {  	_ =	shalt  }
0x4e: {  	_ =	shalt  }
0x4f: {  	_ =	shalt  }
0x50: {  	_ =	shalt  }
0x51: {  	_ =	shalt  }
0x52: {  	_ =	shalt  }
0x53: {  	_ =	shalt  }
0x54: {  	_ =	shalt  }
0x55: {  	_ =	shalt  }
0x56: {  	_ =	shalt  }
0x57: {  	_ =	shalt  }
0x58: {  	_ =	shalt  }
0x59: {  	_ =	shalt  }
0x5a: {  	_ =	shalt  }
0x5b: {  	_ =	shalt  }
0x5c: {  	_ =	shalt  }
0x5d: {  	_ =	shalt  }
0x5e: {  	_ =	shalt  }
0x5f: {  	_ =	shalt  }
0x60: {  	_ =	shalt  }
0x61: {  	_ =	shalt  }
0x62: {  	_ =	shalt  }
0x63: {  	_ =	shalt  }
0x64: {  	_ =	shalt  }
0x65: {  	_ =	shalt  }
0x66: {  	_ =	shalt  }
0x67: {  	_ =	shalt  }
0x68: {  	_ =	shalt  }
0x69: {  	_ =	shalt  }
0x6a: {  	_ =	shalt  }
0x6b: {  	_ =	shalt  }
0x6c: {  	_ =	shalt  }
0x6d: {  	_ =	shalt  }
0x6e: {  	_ =	shalt  }
0x6f: {  	_ =	shalt  }
0x70: {  	_ =	shalt  }
0x71: {  	_ =	shalt  }
0x72: {  	_ =	shalt  }
0x73: {  	_ =	shalt  }
0x74: {  	_ =	shalt  }
0x75: {  	_ =	shalt  }
0x76: {  	_ =	shalt  }
0x77: {  	_ =	shalt  }
0x78: {  	_ =	shalt  }
0x79: {  	_ =	shalt  }
0x7a: {  	_ =	shalt  }
0x7b: {  	_ =	shalt  }
0x7c: {  	_ =	shalt  }
0x7d: {  	_ =	shalt  }
0x7e: {  	_ =	shalt  }
0x7f: {  	_ =	shalt  }
0x80: {  	_ =	shalt  }
0x81: {  	_ =	shalt  }
0x82: {  	_ =	shalt  }
0x83: {  	_ =	shalt  }
0x84: {  	_ =	shalt  }
0x85: {  	_ =	shalt  }
0x86: {  	_ =	shalt  }
0x87: {  	_ =	shalt  }
.Lfunc_end0:
.L_simem_size_0:
called_computation_lowered:
.L_overlay_start_0:
0x88: {  	s2 =	sld [smem:$0x3FD9]  }
0x89: {  	s3 =	sld [smem:$0x3FFE];
	_ =	sdelay $0x1  }
0x8a: {  	s1 =	srdreg.scid  }
0x8b: {  	s0 =	sand.u32 $0x1, s1  }
0x8c: {  	s17 =	sshll.u32 s0, $0xA;
	s2 =	sadd.s32 s3, s2  }
0x8d: {  	s2 =	sadd.s32 s2, s17  }
0x8e: {  	[smem:$0x3FC7] =	sst s2  }
0x8f: {  	_ = 	snop  }
0x90: {  	s2 =	sld [smem:$0x3FD0];
	(tm) =	ssettm $0x1  }
0x91: {  	s18 =	sld [smem:$0x3FFB];
	_ =	sdelay $0x3  }
0x92: {  	_ =	strace s18  }
0x93: {  	s3 =	sld [smem:$0x3FFC];
	_ =	sdelay $0x3  }
0x94: {  	_ =	strace s3  }
0x95: {  	s3 =	sld [smem:$0x3FFD];
	_ =	sdelay $0x3  }
0x96: {  	_ =	strace s3  }
0x97: {  	_ =	strace $0x8FFFFFFF  }
0x98: {  	s19 =	sld [smem:$0x3FDB];
	_ =	sdelay $0x1  }
0x99: {  	s4 =	simm.s32 $_scs_section_size  }
0x9a: {  	s5 =	simm.s32 $_size__tile_overlayer_lowered;
	s6 =	simm.s32 $_tile_overlayer_lowered  }
0x9b: {  	s22 =	simm.s32 $0x1BFF;
	s21 =	sshll.u32 s6, $0x1;
	s3 =	sadd.s32 s4, s19  }
0x9c: {  	s7 =	simm.s32 $0x0;
	s20 =	sshll.u32 s5, $0x1;
	s5 =	sadd.s32 s21, s3  }
0x9d: {  	[timem:s7], [sflag:s22] =	dma.local [hbm:s5], s20  }
0x9e: {  	_ =	swait.ge [sflag:s22], s20  }
0x9f: {  	s4 =	ssub.s32 $0x0, s20;
	[sflag:s22] =	ssyncset.done $0x0  }
0xa0: {  	[sflag:s22] =	ssyncadd.s32 s4;
	_ =	sdelay $0x1  }
0xa1: {  	s23 =	simm.s32 $0x1B8B  }
0xa2: {  	_ =	swait.ge [sflag:s23], $0x1  }
0xa3: {  	[sflag:s23] =	ssyncset.done $0x0  }
0xa4: {  	s25 =	simm.s32 $0x1B8E;
	s24 =	sld [smem:$0x3FFE];
	[sflag:s23] =	ssyncadd.s32 $0xFFFFFFFF  }
0xa5: {  	s26 =	simm.s32 $execute0_lowered;
	[smem:$0x3FD2] =	sst s25  }
0xa6: {  	s5 =	sshll.u32 s26, $0x1;
	_ =	strace $0x80000046;
	[dreg:$0x1] =	wrdreg $0xFFFFFFFF  }
0xa7: {  	s28 =	simm.s32 $_size_execute0_lowered;
	s3 =	sadd.s32 s3, s5;
	[dreg:$0x0] =	wrdreg $0x0  }
0xa8: {  	s5 =	sshll.u32 s28, $0x1;
	[dreg:$0x2] =	wrdreg s3  }
0xa9: {  	[dreg:$0x3] =	wrdreg s5  }
0xaa: {  	[dreg:$0x4] =	wrdreg $0xC0  }
0xab: {  	_ =	task [dreg:s7], $0x5FFFF  }
0xac: {  	[dreg:$0x1] =	wrdreg $0xFFFFFFFF  }
0xad: {  	[dreg:$0x0] =	wrdreg $0x60  }
0xae: {  	[dreg:$0x2] =	wrdreg s24  }
0xaf: {  	[dreg:$0x3] =	wrdreg s2  }
0xb0: {  	[dreg:$0x4] =	wrdreg $0x9  }
0xb1: {  	_ =	task.clear_ibuf [dreg:s7], $0x5FFFF;
	_ =	strace $0x90000046  }
0xb2: {  	s29 =	simm.s32 $0x9;
	_ =	strace $0x80000048  }
0xb3: {  	_ =	swait.ge [sflag:s29], $0x1  }
0xb4: {  	[sflag:s29] =	ssyncadd.s32 $0xFFFFFFFF  }
0xb5: {  	_ =	strace $0x90000048  }
0xb6: {  	_ =	sfence  }
0xb7: {  	s30 =	sld [smem:$0x0];
	_ =	sdelay $0x2  }
0xb8: {  	s31 =	sshll.u32 s1, $0xD;
	s1 =	sshrl.u32 s1, $0x2  }
0xb9: {  	s3 =	sand.u32 $0x4000, s31;
	s1 =	sadd.s32 s1, s30  }
0xba: {  	s0 =	sor.u32 s3, s0;
	s1 =	sshll.u32 s1, $0x11  }
0xbb: {  	s0 =	sor.u32 s1, s0  }
0xbc: {  	s0 =	sadd.s32 $0x8F2B, s0  }
0xbd: {  	[sflag:s0] =	ssyncadd.remote.s32 $0x1  }
0xbe: {  	_ =	sfence.sel $0xFFFF  }
0xbf: {  	[dreg:$0x0] =	wrdreg $0xFFFFFFFF;
	(pc) =	sbr.abs _section_cstart, $3  }
0xc0: {  	[dreg:$0x1] =	wrdreg $0xFFFFFFFF  }
0xc1: {  	_ =	task.clear_ibuf [dreg:s7], $0x2FFFF;
	_ =	strace $0x9FFFFFFF  }
0xc2: {  	(tm) =	ssettm $0x7FFFFFFF  }
0xc3: {  	_ =	shalt  }
tec
execute0_lowered:
.L_overlay_start_1:
0x0: {  	(tag) =	ssettag $0x1  }
0x1: {  	s4 =	rddreg [dreg:$0x0]  }
0x2: {  	s6 =	rddreg [dreg:$0x1]  }
0x3: {  	s0 =	rddreg [dreg:$0x2]  }
0x4: {  	s2 =	simm.s32 $0x0;
	s3 =	srdreg.scid;
	s1 =	stileid.u32  }
0x5: {  	s12 =	simm.s32 $0x18700;
	s13 =	simm.s32 $0x1C700;
	s14 =	simm.s32 $0x1CF00  }
0x6: {  	s15 =	simm.s32 $0x1CF80;
	s16 =	simm.s32 $0x1D080;
	s17 =	simm.s32 $0x1D100  }
0x7: {  	s18 =	simm.s32 $0x2;
	s19 =	simm.s32 $0x0;
	[smem:$0x7FF] =	sst s2  }
0x8: {  	s5 =	sand.u32 $0x1, s3;
	s7 =	sshll.u32 s1, $0x1;
	s8 =	smul.u32 $0xC3800, s1  }
0x9: {  	s3 =	sadd.s32 $0x800, s4;
	_ =	strace $0x80000047;
	s7 =	sor.u32 s5, s7  }
0xa: {  	s9 =	sshll.u32 s5, $0x9;
	s5 =	ssub.s32 $0x2, s5;
	s10 =	sshll.u32 s7, $0x4  }
.Ltmp0:
0xb: {  	s8 =	sor.u32 s9, s8;
	s30 =	sshrl.u32 s5, $0x1;
	(pc) =	sbr.rel .LBB2_1-.Ltmp0, $4  }
0xc: {  	v0 =	vlaneseq.u32;
	v1 =	vimm.s32 $0x0;
	s31 =	sshll.u32 s7, $0x2;
	s9 =	simm.s32 $0x80;
	s29 =	sadd.s32 s10, s4  }
0xd: {  	v3 =	vimm.s32 $0x1;
	v2 =	vmul.u32 $0x400, v0;
	v4 =	vmul.u32 $0xFFFFFFFF, v0;
	s8 =	sshrl.u32 s8, $0x3;
	s11 =	ssub.s32 s5, s30;
	s5 =	sor.u32 $0x1, s31  }
0xe: {  	v6 =	vimm.f32 $-1.000000020e+30;
	v7 =	vimm.f32 $-3.000000010e+38;
	v8 =	vimm.f32 $0.0e+00;
	s6 =	sadd.s32 s6, s10;
	s10 =	simm.s32 $0x400;
	s4 =	sadd.s32 s3, s8  }
0xf: {  	v5 =	vor.u32 $0x80000000, v0;
	v2 =	vor.u32 $0x200, v2;
	v4 =	vadd.s32 $0xF, v4;
	s7 =	sadd.s32 $0x187800, s29;
	s8 =	smax.u32 s11, $0x1;
	s11 =	simm.s32 $0x1  }
.LBB2_20:
0x10: {  	[hbm4b:s6+s2] =	stream.linear.scatter [tilespmem:s16], [sflag:$0x2], $0x80, $0x38;
	[tilespmem:$0x1D180] =	vst v63  }
0x11: {  	s19 =	sadd.s32 $0x1, s19;
	_ =	swait.ge [sflag:s18], $0x80  }
0x12: {  	p0 =	sne.s32 s19, s8;
	[sflag:s18] =	ssyncset.done $0x0  }
.Ltmp1:
0x13: {  	[sflag:s18] =	ssyncadd.s32 $0xFFFFFF80;
	(pc) =	sbr.rel @!p0 .LBB2_21-.Ltmp1, $4  }
0x14: {  	[hbm4b:s7+s2] =	stream.linear.scatter [tilespmem:s17], [sflag:$0x2], $0x80, $0x38;
	[tilespmem:$0x1D180] =	vst v63  }
0x15: {  	_ =	swait.ge [sflag:s18], $0x80  }
0x16: {  	[sflag:s18] =	ssyncset.done $0x0  }
0x17: {  	[sflag:s18] =	ssyncadd.s32 $0xFFFFFF80  }
.LBB2_1:
.Ltmp2:
0x18: {  	(pc) =	sbr.rel .LBB2_2-.Ltmp2, $3  }
0x19: {  	_ =	sdelay $0x1  }
0x1a: {  	[tilespmem:s2], [sflag:$0x1] =	stream.strided.gather [hbm4b:s4+s9], $0x18700, s10, s9, $0x38;
	[tilespmem:$0x1D180] =	vst v63  }
0x1b: {  	s20 =	simm.s32 $0x0  }
.LBB2_19:
0x1c: {  	p0 =	seq.s32 s20, $0x3  }
0x1d: {  	s21 =	sadd.s32 @!p0 s20, s5  }
0x1e: {  	s22 =	sshrl.u32 @!p0 s21, $0x3  }
0x1f: {  	s21 =	sshll.u32 @!p0 s21, $0x7;
	s22 =	smul.u32 @!p0 $0xC3800, s22  }
0x20: {  	s21 =	sand.u32 @!p0 $0x380, s21  }
0x21: {  	s21 =	sor.u32 @!p0 s21, s22  }
0x22: {  	s23 =	simm.s32 @!p0 $0x400;
	s21 =	sshrl.u32 @!p0 s21, $0x3  }
0x23: {  	s24 =	simm.s32 @!p0 $0x0;
	s22 =	simm.s32 @!p0 $0x80;
	s21 =	sadd.s32 @!p0 s3, s21  }
0x24: {  	[tilespmem:s24], [sflag:$0x1] =	stream.strided.gather @!p0 [hbm4b:s21+s22], $0x18700, s23, s22, $0x38;
	[tilespmem:$0x1D180] =	vst v63  }
0x25: {  	v9 =	vld [tilespmem:$0x1CF00];
	_ =	sdelay $0x4  }
0x26: {  	(xrf0) =	vmax.scan.msk.f32 $0xffff, v9;
	_ =	sdelay $0x4  }
0x27: {  	v10 =	vld [tilespmem:$0x1CF10]  }
0x28: {  	v11, _, _ =	vpop (xrf0)  }
0x29: {  	v12 =	vld [tilespmem:$0x1CF20];
	v11 =	vbroadcast v11, $0xF;
	_ =	sdelay $0x1  }
0x2a: {  	v13 =	vld [tilespmem:$0x1CF30];
	v9 =	vsub.f32 v9, v11  }
0x2b: {  	v10 =	vsub.f32 v10, v11  }
0x2c: {  	v9 =	vmul.f32 $1.442695020e+00, v9  }
0x2d: {  	v12 =	vsub.f32 v12, v11;
	v10 =	vmul.f32 $1.442695020e+00, v10  }
0x2e: {  	(erf) = vpow2.f32 v9  }
0x2f: {  	v9 =	vmul.f32 $1.442695020e+00, v12;
	(erf) = vpow2.f32 v10;
	v10 =	vsub.f32 v13, v11;
	_ =	sdelay $0x1  }
0x30: {  	(erf) = vpow2.f32 v9;
	v9 =	vmul.f32 $1.442695020e+00, v10;
	_ =	sdelay $0x1  }
0x31: {  	(erf) = vpow2.f32 v9;
	_ =	sdelay $0x3  }
0x32: {  	v9 =	vpop (erf)  }
0x33: {  	v10 =	vpop (erf)  }
0x34: {  	v11 =	vadd.f32 v10, v9  }
0x35: {  	v58 =	vpop (erf)  }
0x36: {  	v11 =	vadd.f32 v11, v58  }
0x37: {  	v59 =	vpop (erf)  }
0x38: {  	v11 =	vadd.f32 v11, v59;
	_ =	sdelay $0x1  }
0x39: {  	(xrf2) =	vadd.scan.msk.f32 $0xffff, v11;
	_ =	sdelay $0x9  }
0x3a: {  	v11, _, _ =	vpop (xrf2)  }
0x3b: {  	v11 =	vbroadcast v11, $0xF;
	_ =	sdelay $0x1  }
0x3c: {  	(erf) = vrcp.f32 v11;
	_ =	sdelay $0x8  }
0x3d: {  	v11 =	vpop (erf)  }
0x3e: {  	v9 =	vmul.f32 v11, v9  }
0x3f: {  	[tilespmem:$0x1D000] =	vst v8  }
0x40: {  	[tilespmem:$0x1D010] =	vst v9  }
0x41: {  	v9 =	vld [tilespmem:$0x1D00F];
	_ =	sdelay $0x4  }
0x42: {  	(xrf2) =	vadd.scan.msk.f32 $0xffff, v9;
	_ =	sdelay $0x2  }
0x43: {  	v9 =	vmul.f32 v11, v10;
	_ =	sdelay $0x1  }
0x44: {  	[tilespmem:$0x1D020] =	vst v9  }
0x45: {  	v9 =	vld [tilespmem:$0x1D01F];
	_ =	sdelay $0x3  }
0x46: {  	v10, _, _ =	vpop (xrf2)  }
0x47: {  	(xrf2) =	vadd.scan.msk.f32 $0xffff, v9;
	v14 =	vadd.f32 $0.0e+00, v10;
	_ =	sdelay $0x1  }
0x48: {  	(xrf0) =	vmax.scan.msk.f32 $0xffff, v14  }
0x49: {  	v9 =	vmul.f32 v11, v58;
	_ =	sdelay $0x1  }
0x4a: {  	[tilespmem:$0x1D030] =	vst v9  }
0x4b: {  	v9 =	vld [tilespmem:$0x1D02F];
	_ =	sdelay $0x1  }
0x4c: {  	v60, _, _ =	vpop (xrf0)  }
0x4d: {  	v12 =	vbroadcast v60, $0xF  }
0x4e: {  	v61, _, _ =	vpop (xrf2)  }
0x4f: {  	(xrf2) =	vadd.scan.msk.f32 $0xffff, v9;
	v12 =	vadd.f32 v12, v61;
	_ =	sdelay $0x1  }
0x50: {  	(xrf0) =	vmax.scan.msk.f32 $0xffff, v12  }
0x51: {  	v9 =	vmul.f32 v11, v59;
	_ =	sdelay $0x1  }
0x52: {  	[tilespmem:$0x1D040] =	vst v9  }
0x53: {  	v9 =	vld [tilespmem:$0x1D03F];
	_ =	sdelay $0x1  }
0x54: {  	v11, _, _ =	vpop (xrf0)  }
0x55: {  	v11 =	vbroadcast v11, $0xF  }
0x56: {  	v62, _, _ =	vpop (xrf2)  }
0x57: {  	(xrf2) =	vadd.scan.msk.f32 $0xffff, v9;
	v11 =	vadd.f32 v11, v62;
	_ =	sdelay $0x1  }
0x58: {  	(xrf0) =	vmax.scan.msk.f32 $0xffff, v11;
	_ =	sdelay $0x5  }
0x59: {  	v9, _, _ =	vpop (xrf0)  }
0x5a: {  	v9 =	vbroadcast v9, $0xF  }
0x5b: {  	v63, _, _ =	vpop (xrf2)  }
0x5c: {  	vm0 =	vle.f32 v10, $8.999999760e-01;
	v9 =	vadd.f32 v9, v63  }
0x5d: {  	vm2 =	vmmov $0x3;
	v10 =	vmpcnt.ones.xlane vm0;
	vm1 =	vle.f32 v12, $8.999999760e-01  }
0x5e: {  	v12 =	vmpcnt.ones.xlane vm1;
	vm13 =	vle.f32 v11, $8.999999760e-01;
	vm14 =	vle.f32 v9, $8.999999760e-01  }
0x5f: {  	v9 =	vmpcnt.ones.xlane vm13;
	vm15 =	vmand vm14, vm2  }
0x60: {  	v10 =	vadd.s32 v10, v12;
	v11 =	vmpcnt.ones.xlane vm15  }
0x61: {  	v9 =	vadd.s32 v9, v10  }
0x62: {  	v9 =	vadd.s32 v11, v9  }
0x63: {  	v9 =	vxor.u32 $0x80000000, v9  }
0x64: {  	(xrf0) =	vmax.scan.msk.u32 $0xffff, v9;
	_ =	sdelay $0x5  }
0x65: {  	v9, _, _ =	vpop (xrf0)  }
0x66: {  	(v2sf) =	vpush v9, $0xF;
	_ =	sdelay $0xe  }
0x67: {  	s31 =	spop (v2sf)  }
0x68: {  	s21 =	sadd.s32 $0x7FFFFFFF, s31  }
0x69: {  	v9 =	vmov s21;
	_ =	sdelay $0x4  }
0x6a: {  	v11 =	vmov s20;
	s20 =	sadd.s32 $0x1, s20;
	v10 =	vld.idx.msk [tilespmem:v9+s14+$0x0], $0xffff  }
0x6b: {  	p0 =	sne.s32 s20, $0x4;
	v9 =	vld.idx.msk [tilespmem:v9+s15+$0x0], $0xffff  }
.Ltmp3:
0x6c: {  	_ = 	snop;
	(pc) =	sbr.rel @!p0 .LBB2_20-.Ltmp3, $3  }
0x6d: {  	_ =	sdelay $0x1  }
0x6e: {  	[tilespmem:v11+s16+$0x0] =	vst.idx.msk $0x1, v10  }
0x6f: {  	[tilespmem:v11+s17+$0x0] =	vst.idx.msk $0x1, v9  }
.LBB2_2:
0x70: {  	s21 =	simm.s32 $0x18740  }
0x71: {  	[tilespmem:s21+$0xFFFFFFC0] =	vst v1  }
0x72: {  	[tilespmem:s21+$0x30] =	vst v1  }
0x73: {  	[tilespmem:s21+$0x20] =	vst v1  }
0x74: {  	[tilespmem:s21+$0x10] =	vst v1  }
0x75: {  	[tilespmem:s21+$0x0] =	vst v1  }
0x76: {  	[tilespmem:s21+$0xFFFFFFF0] =	vst v1  }
0x77: {  	s22 =	simm.s32 $0x0;
	[tilespmem:s21+$0xFFFFFFE0] =	vst v1  }
.LBB2_3:
0x78: {  	s22 =	sadd.s32 $0x80, s22;
	[tilespmem:s21+$0xFFFFFFD0] =	vst v1;
	s21 =	sadd.s32 $0x80, s21  }
0x79: {  	[tilespmem:s21+$0xFFFFFFC0] =	vst v1;
	p0 =	slt.u32 s22, $0x3F80  }
0x7a: {  	[tilespmem:s21+$0x30] =	vst v1  }
.Ltmp4:
0x7b: {  	[tilespmem:s21+$0x20] =	vst v1;
	(pc) =	sbr.rel @p0 .LBB2_3-.Ltmp4, $4  }
0x7c: {  	[tilespmem:s21+$0x10] =	vst v1  }
0x7d: {  	[tilespmem:s21+$0x0] =	vst v1  }
0x7e: {  	[tilespmem:s21+$0xFFFFFFF0] =	vst v1  }
0x7f: {  	[tilespmem:s21+$0xFFFFFFE0] =	vst v1  }
0x80: {  	[tilespmem:s21+$0xFFFFFFD0] =	vst v1  }
0x81: {  	_ =	swait.ge [sflag:s11], $0x18700  }
0x82: {  	[sflag:s11] =	ssyncset.done $0x0  }
0x83: {  	s31 =	simm.s32 $0x40;
	[sflag:s11] =	ssyncadd.s32 $0xFFFE7900  }
0x84: {  	v9 =	vld [tilespmem:s31+$0x10];
	_ =	sdelay $0x1  }
0x85: {  	v10 =	vld [tilespmem:s31+$0xFFFFFFC0];
	_ =	sdelay $0x1  }
0x86: {  	v11 =	vld [tilespmem:s31+$0x20]  }
0x87: {  	v12 =	vshra.s32 v9, $0x1F  }
0x88: {  	v9 =	vshra.s32 v9, $0x16;
	v12 =	vand.u32 $0x1FF, v12  }
0x89: {  	v14 =	vld [tilespmem:s31+$0xFFFFFFD0];
	v9 =	vxor.u32 v9, v12;
	v12 =	vshra.s32 v10, $0x1F  }
0x8a: {  	v18 =	vld [tilespmem:s31+$0x30];
	v16 =	vadd.s32 v2, v9;
	v9 =	vshra.s32 v10, $0x16;
	v10 =	vand.u32 $0x1FF, v12  }
0x8b: {  	v17 =	vld [tilespmem:s31+$0x0];
	v9 =	vxor.u32 v9, v10;
	v10 =	vshra.s32 v11, $0x1F  }
0x8c: {  	v12 =	vshra.s32 v11, $0x16;
	v11 =	vadd.s32 v2, v9;
	v10 =	vand.u32 $0x1FF, v10;
	v9 =	vld [tilespmem:s31+$0xFFFFFFE0]  }
0x8d: {  	v10 =	vxor.u32 v12, v10  }
0x8e: {  	v12 =	vshra.s32 v14, $0x1F;
	v10 =	vadd.s32 v2, v10  }
0x8f: {  	v13 =	vshra.s32 v18, $0x16;
	v18 =	vshra.s32 v18, $0x1F;
	v15 =	vand.u32 $0x1FF, v12;
	v12 =	vld [tilespmem:s31+$0xFFFFFFF0]  }
0x90: {  	s23 =	simm.s32 $0x0;
	s24 =	simm.s32 $0xC0;
	v14 =	vshra.s32 v14, $0x16;
	[tilespmem:v16+s12+$0x0] =	vst.idx.add.s32.msk $0xffff, v3;
	v16 =	vshra.s32 v17, $0x16;
	v17 =	vshra.s32 v17, $0x1F  }
.LBB2_5:
0x91: {  	s23 =	sadd.s32 $0x80, s23;
	[tilespmem:v11+s12+$0x0] =	vst.idx.add.s32.msk $0xffff, v3;
	v11 =	vshra.s32 v9, $0x16;
	v17 =	vand.u32 $0x1FF, v17;
	v18 =	vand.u32 $0x1FF, v18;
	s21 =	simm.s32 $0x18670;
	s22 =	simm.s32 $0x18680  }
0x92: {  	v9 =	vshra.s32 v9, $0x1F;
	v19 =	vld [tilespmem:s24+$0x10];
	p0 =	slt.u32 s23, $0x18600;
	v16 =	vxor.u32 v16, v17;
	v13 =	vxor.u32 v13, v18  }
0x93: {  	v14 =	vxor.u32 v14, v15;
	v9 =	vand.u32 $0x1FF, v9;
	[tilespmem:v10+s12+$0x0] =	vst.idx.add.s32.msk $0xffff, v3;
	v10 =	vadd.s32 v2, v13  }
0x94: {  	v9 =	vxor.u32 v11, v9;
	v11 =	vadd.s32 v2, v16;
	v13 =	vld [tilespmem:s24+$0xFFFFFFC0]  }
0x95: {  	v14 =	vadd.s32 v2, v14;
	v16 =	vadd.s32 v2, v9;
	v15 =	vld [tilespmem:s24+$0xFFFFFFD0];
	v9 =	vshra.s32 v12, $0x1F  }
0x96: {  	v12 =	vshra.s32 v12, $0x16;
	v17 =	vld [tilespmem:s24+$0x20];
	v9 =	vand.u32 $0x1FF, v9  }
0x97: {  	v18 =	vshra.s32 v19, $0x1F;
	v20 =	vld [tilespmem:s24+$0x30];
	v12 =	vxor.u32 v12, v9  }
0x98: {  	v19 =	vshra.s32 v19, $0x16;
	v9 =	vld [tilespmem:s24+$0xFFFFFFE0];
	v18 =	vand.u32 $0x1FF, v18;
	v12 =	vadd.s32 v2, v12  }
0x99: {  	v21 =	vshra.s32 v13, $0x1F;
	v18 =	vxor.u32 v19, v18;
	[tilespmem:v11+s12+$0x0] =	vst.idx.add.s32.msk $0xffff, v3  }
0x9a: {  	v11 =	vshra.s32 v13, $0x16;
	v13 =	vand.u32 $0x1FF, v21;
	v18 =	vadd.s32 v2, v18;
	[tilespmem:v10+s12+$0x0] =	vst.idx.add.s32.msk $0xffff, v3  }
0x9b: {  	v10 =	vxor.u32 v11, v13;
	v19 =	vld [tilespmem:s24+$0x0];
	v21 =	vshra.s32 v17, $0x16;
	v13 =	vshra.s32 v17, $0x1F  }
.Ltmp5:
0x9c: {  	v11 =	vadd.s32 v2, v10;
	v10 =	vand.u32 $0x1FF, v13;
	v13 =	vshra.s32 v20, $0x16;
	[tilespmem:v14+s12+$0x0] =	vst.idx.add.s32.msk $0xffff, v3;
	(pc) =	sbr.rel @p0 .LBB2_5-.Ltmp5, $4  }
0x9d: {  	v10 =	vxor.u32 v21, v10;
	[tilespmem:v16+s12+$0x0] =	vst.idx.add.s32.msk $0xffff, v3  }
0x9e: {  	v16 =	vshra.s32 v15, $0x1F;
	v10 =	vadd.s32 v2, v10;
	[tilespmem:v12+s12+$0x0] =	vst.idx.add.s32.msk $0xffff, v3  }
0x9f: {  	v14 =	vshra.s32 v15, $0x16;
	v15 =	vand.u32 $0x1FF, v16;
	[tilespmem:v18+s12+$0x0] =	vst.idx.add.s32.msk $0xffff, v3  }
0xa0: {  	v18 =	vshra.s32 v20, $0x1F;
	v12 =	vld [tilespmem:s24+$0xFFFFFFF0];
	v16 =	vshra.s32 v19, $0x16;
	v17 =	vshra.s32 v19, $0x1F;
	s24 =	sadd.s32 $0x80, s24  }
0xa1: {  	_ = 	snop  }
0xa2: {  	v17 =	vand.u32 $0x1FF, v17;
	v18 =	vand.u32 $0x1FF, v18;
	v60 =	vshra.s32 v9, $0x16  }
0xa3: {  	v9 =	vshra.s32 v9, $0x1F;
	v14 =	vxor.u32 v14, v15;
	v16 =	vxor.u32 v16, v17  }
0xa4: {  	v13 =	vxor.u32 v13, v18;
	v9 =	vand.u32 $0x1FF, v9;
	v14 =	vadd.s32 v2, v14  }
0xa5: {  	v61 =	vadd.s32 v2, v16;
	v13 =	vadd.s32 v2, v13;
	v62 =	vshra.s32 v12, $0x1F  }
0xa6: {  	v9 =	vxor.u32 v60, v9;
	v63 =	vshra.s32 v12, $0x16;
	v16 =	vand.u32 $0x1FF, v62  }
0xa7: {  	[tilespmem:v11+s12+$0x0] =	vst.idx.add.s32.msk $0xffff, v3;
	v9 =	vadd.s32 v2, v9;
	v11 =	vxor.u32 v63, v16  }
0xa8: {  	[tilespmem:v10+s12+$0x0] =	vst.idx.add.s32.msk $0xffff, v3;
	v10 =	vadd.s32 v2, v11  }
0xa9: {  	[tilespmem:v14+s12+$0x0] =	vst.idx.add.s32.msk $0xffff, v3  }
0xaa: {  	[tilespmem:v61+s12+$0x0] =	vst.idx.add.s32.msk $0xffff, v3  }
0xab: {  	[tilespmem:v13+s12+$0x0] =	vst.idx.add.s32.msk $0xffff, v3  }
0xac: {  	[tilespmem:v9+s12+$0x0] =	vst.idx.add.s32.msk $0xffff, v3  }
0xad: {  	[tilespmem:v10+s12+$0x0] =	vst.idx.add.s32.msk $0xffff, v3  }
.LBB2_7:
0xae: {  	v9 =	vld [tilespmem:s22+$0x0];
	_ =	sdelay $0x4  }
0xaf: {  	v10 =	vshra.s32 v9, $0x1F  }
0xb0: {  	v9 =	vshra.s32 v9, $0x16;
	v10 =	vand.u32 $0x1FF, v10  }
0xb1: {  	s21 =	sadd.s32 $0x10, s21;
	v9 =	vxor.u32 v9, v10  }
0xb2: {  	p0 =	slt.u32 s21, $0x18690;
	v9 =	vadd.s32 v2, v9  }
.Ltmp6:
0xb3: {  	_ = 	snop;
	(pc) =	sbr.rel @p0 .LBB2_7-.Ltmp6, $3  }
0xb4: {  	_ =	sdelay $0x1  }
0xb5: {  	s22 =	sadd.s32 $0x10, s22;
	s23 =	simm.s32 $0x0;
	s24 =	simm.s32 $0x800003FF  }
0xb6: {  	s25 =	simm.s32 $0x1AAF0;
	s26 =	simm.s32 $0x0;
	s28 =	simm.s32 $0x0;
	[tilespmem:v9+s12+$0x0] =	vst.idx.add.s32.msk $0xffff, v3  }
.LBB2_8:
0xb7: {  	v9 =	vld [tilespmem:s25+$0xFFFFE000]  }
0xb8: {  	v10 =	vld [tilespmem:s25+$0xFFFFE400]  }
0xb9: {  	v11 =	vld [tilespmem:s25+$0xFFFFE800]  }
0xba: {  	v12 =	vld [tilespmem:s25+$0xFFFFEC00]  }
0xbb: {  	v13 =	vld [tilespmem:s25+$0xFFFFF000]  }
0xbc: {  	v14 =	vld [tilespmem:s25+$0xFFFFF400]  }
0xbd: {  	v9 =	vadd.s32 v9, v10;
	v10 =	vld [tilespmem:s25+$0xFFFFF800]  }
0xbe: {  	v9 =	vadd.s32 v11, v9;
	v11 =	vld [tilespmem:s25+$0xFFFFFC00]  }
0xbf: {  	v58 =	vld [tilespmem:s25+$0x0];
	v9 =	vadd.s32 v12, v9  }
0xc0: {  	v59 =	vld [tilespmem:s25+$0x400];
	v9 =	vadd.s32 v13, v9  }
0xc1: {  	v60 =	vld [tilespmem:s25+$0x800];
	v9 =	vadd.s32 v14, v9  }
0xc2: {  	v9 =	vadd.s32 v10, v9;
	v10 =	vld [tilespmem:s25+$0xC00]  }
0xc3: {  	v9 =	vadd.s32 v11, v9;
	v11 =	vld [tilespmem:s25+$0x1000]  }
0xc4: {  	v61 =	vld [tilespmem:s25+$0x1400];
	v9 =	vadd.s32 v58, v9  }
0xc5: {  	v62 =	vld [tilespmem:s25+$0x1800];
	v9 =	vadd.s32 v59, v9  }
0xc6: {  	v63 =	vld [tilespmem:s25+$0x1C00];
	v9 =	vadd.s32 v60, v9  }
0xc7: {  	v9 =	vadd.s32 v10, v9  }
0xc8: {  	v9 =	vadd.s32 v11, v9  }
0xc9: {  	v9 =	vadd.s32 v61, v9  }
0xca: {  	v9 =	vadd.s32 v62, v9  }
0xcb: {  	v9 =	vadd.s32 v63, v9  }
0xcc: {  	v9 =	vperm.xlane v9, v4;
	_ =	sdelay $0x1  }
0xcd: {  	(xrf0) =	vadd.scan.msk.s32 $0xffff, v9;
	_ =	sdelay $0x5  }
0xce: {  	v9, _, _ =	vpop (xrf0)  }
0xcf: {  	v10 =	vadd.s32 s26, v9  }
0xd0: {  	vm0 =	vgt.s32 v10, $0x31  }
0xd1: {  	v10 =	vnsel vm0, $0x80000063, v5  }
0xd2: {  	(xrf0) =	vmin.scan.msk.u32 $0xffff, v10;
	_ =	sdelay $0x2  }
0xd3: {  	v9 =	vxor.u32 $0x80000000, v9;
	_ =	sdelay $0x2  }
0xd4: {  	(xrf0) =	vmax.scan.msk.u32 $0xffff, v9;
	v9, _, _ =	vpop (xrf0)  }
0xd5: {  	(v2sf) =	vpush v9, $0xF;
	_ =	sdelay $0x5  }
0xd6: {  	v9, _, _ =	vpop (xrf0)  }
0xd7: {  	(v2sf) =	vpush v9, $0xF;
	_ =	sdelay $0x7  }
0xd8: {  	s21 =	spop (v2sf)  }
0xd9: {  	s22 =	smov.u32 s23;
	s29 =	sxor.u32 $0x80000000, s21  }
0xda: {  	p1 =	sgt.u32 s28, $0x3E;
	s23 =	ssub.s32 s24, s21;
	p0 =	sgt.s32 s29, $0x62  }
0xdb: {  	s23 =	smov.u32 @p0 s22;
	p0 =	sgt.s32 @!p1 s29, $0x62  }
0xdc: {  	p0 =	por p1, !p0  }
.Ltmp7:
0xdd: {  	_ = 	snop;
	(pc) =	sbr.rel @!p0 .LBB2_8-.Ltmp7, $4  }
0xde: {  	_ = 	snop  }
0xdf: {  	s31 =	spop (v2sf)  }
0xe0: {  	s28 =	sadd.s32 $0x1, s28;
	s21 =	sadd.s32 s31, s26  }
0xe1: {  	s25 =	sadd.s32 $0xFFFFFFF0, s25;
	s24 =	sadd.s32 $0xFFFFFFF0, s24;
	s26 =	sadd.s32 $0x80000000, s21  }
0xe2: {  	s21 =	sshll.u32 s23, $0x16;
	s23 =	simm.s32 $0x40  }
0xe3: {  	v10 =	vld [tilespmem:s23+$0xFFFFFFC0]  }
0xe4: {  	v12 =	vld [tilespmem:s23+$0xFFFFFFD0]  }
0xe5: {  	s22 =	simm.s32 $0xFFFFFFFF;
	p0 =	sgt.s32 s21, $0xFFFFFFFF;
	v13 =	vld [tilespmem:s23+$0xFFFFFFE0]  }
0xe6: {  	v14 =	vld [tilespmem:s23+$0xFFFFFFF0];
	s22 =	simm.s32 @!p0 $0x80000000  }
0xe7: {  	v15 =	vld [tilespmem:s23+$0x0];
	s21 =	sxor.u32 s21, s22  }
0xe8: {  	v18 =	vld [tilespmem:s23+$0x20];
	v9 =	vmov s21  }
0xe9: {  	v9 =	vbroadcast v9, $0x0;
	_ =	sdelay $0x1  }
0xea: {  	v11 =	vimm.s32 $0x0;
	vm1 =	vge.f32 v10, v9  }
0xeb: {  	v10 =	vld [tilespmem:s23+$0x10];
	vm0 =	vge.f32 v12, v9;
	vm7 =	vge.f32 v13, v9;
	vm6 =	vge.f32 v14, v9  }
0xec: {  	v13 =	vld [tilespmem:s23+$0x30];
	vm5 =	vge.f32 v15, v9;
	vm3 =	vge.f32 v18, v9;
	v16 =	vsel vm1, $0x1, v1  }
0xed: {  	v17 =	vmpcnt.ones.xlane vm1;
	v19 =	vsel vm0, $0x1, v1;
	v20 =	vmpcnt.ones.xlane vm0  }
0xee: {  	v14 =	vmpcnt.ones.xlane vm6;
	v15 =	vmpcnt.ones.xlane vm5;
	v25 =	vsel vm3, $0x1, v1  }
0xef: {  	v18 =	vsel vm1, $0xFFFFFFFF, v1;
	v12 =	vadd.s32 v11, v17;
	v17 =	vmpcnt.ones.xlane vm7  }
0xf0: {  	v27 =	vsel vm7, $0xFFFFFFFF, v1;
	v28 =	vsel vm6, $0xFFFFFFFF, v1;
	(xrf0) =	vadd.scan.msk.s32 $0xffff, v16;
	v20 =	vadd.s32 v12, v20  }
0xf1: {  	(xrf0) =	vadd.scan.msk.s32 $0xffff, v19;
	v21 =	vadd.s32 v20, v17;
	vm4 =	vge.f32 v10, v9;
	vm2 =	vge.f32 v13, v9  }
0xf2: {  	v13 =	vsel vm7, $0x1, v1;
	v23 =	vadd.s32 v21, v14;
	v14 =	vmpcnt.ones.xlane vm3  }
0xf3: {  	v29 =	vsel vm5, $0xFFFFFFFF, v1;
	v16 =	vsel vm6, $0x1, v1;
	v10 =	vmpcnt.ones.xlane vm4;
	(xrf0) =	vadd.scan.msk.s32 $0xffff, v13  }
0xf4: {  	v30 =	vsel vm3, $0xFFFFFFFF, v1;
	v17 =	vsel vm5, $0x1, v1;
	v15 =	vadd.s32 v23, v15;
	(xrf0) =	vadd.scan.msk.s32 $0xffff, v16  }
0xf5: {  	v19 =	vsel vm0, $0xFFFFFFFF, v1;
	v13 =	vsel vm4, $0x1, v1;
	v22 =	vadd.s32 v15, v10;
	(xrf0) =	vadd.scan.msk.s32 $0xffff, v17  }
0xf6: {  	v26 =	vsel vm2, $0x1, v1;
	v10 =	vmpcnt.ones.xlane vm2;
	v24 =	vadd.s32 v22, v14;
	v14, _, _ =	vpop (xrf0);
	(xrf0) =	vadd.scan.msk.s32 $0xffff, v13  }
0xf7: {  	v31 =	vsel vm2, $0xFFFFFFFF, v1;
	v21 =	vadd.s32 v28, v21;
	v13 =	vsel vm4, $0xFFFFFFFF, v1;
	v16, _, _ =	vpop (xrf0);
	(xrf0) =	vadd.scan.msk.s32 $0xffff, v25  }
0xf8: {  	v10 =	vadd.s32 v24, v10;
	v17 =	vadd.s32 v13, v15;
	v15 =	vadd.s32 v30, v22;
	(xrf0) =	vadd.scan.msk.s32 $0xffff, v26  }
0xf9: {  	s24 =	simm.s32 $0x100;
	s22 =	simm.s32 $0x0;
	s21 =	simm.s32 $0x80;
	v13 =	vadd.s32 v31, v24;
	v22 =	vadd.s32 v27, v20;
	v20 =	vadd.s32 v29, v23;
	v23, _, _ =	vpop (xrf0)  }
.LBB2_10:
0xfa: {  	p0 =	slt.u32 s24, $0x18600;
	v11 =	vadd.s32 v18, v11;
	v12 =	vadd.s32 v19, v12;
	v18 =	vadd.s32 v23, v22;
	v19, _, _ =	vpop (xrf0)  }
0xfb: {  	v11 =	vadd.s32 v14, v11;
	v12 =	vadd.s32 v16, v12;
	v14 =	vadd.s32 v19, v21;
	v16, _, _ =	vpop (xrf0)  }
0xfc: {  	vm8 =	vlt.s32 v11, $0x7FF;
	vm9 =	vlt.s32 v12, $0x7FF;
	v16 =	vadd.s32 v16, v20;
	v19, _, _ =	vpop (xrf0)  }
0xfd: {  	vm10 =	vlt.s32 v18, $0x7FF;
	vm11 =	vlt.s32 v14, $0x7FF;
	v17 =	vadd.s32 v19, v17;
	v19, _, _ =	vpop (xrf0)  }
0xfe: {  	vm12 =	vlt.s32 v16, $0x7FF;
	vm13 =	vlt.s32 v17, $0x7FF;
	v15 =	vadd.s32 v19, v15;
	v19, _, _ =	vpop (xrf0)  }
0xff: {  	v20 =	vnsel vm8, $0x7FF, v11;
	v11 =	vmovc v10;
	vm8 =	vlt.s32 v15, $0x7FF;
	v13 =	vadd.s32 v19, v13  }
0x100: {  	s23 =	sadd.s32 $0x80, s23;
	v12 =	vnsel vm9, $0x7FF, v12;
	v15 =	vnsel vm8, $0x7FF, v15;
	vm8 =	vlt.s32 v13, $0x7FF  }
0x101: {  	v18 =	vnsel vm10, $0x7FF, v18;
	v14 =	vnsel vm11, $0x7FF, v14;
	v19 =	vld [tilespmem:s23+$0xFFFFFFC0];
	v13 =	vnsel vm8, $0x7FF, v13  }
0x102: {  	s25 =	sadd.s32 $0x10, s22;
	v16 =	vnsel vm12, $0x7FF, v16;
	v17 =	vnsel vm13, $0x7FF, v17;
	vm8 =	vmmov vm7;
	v21 =	vld [tilespmem:s23+$0xFFFFFFD0]  }
0x103: {  	v23 =	vor.u32 s22, v0;
	s26 =	sadd.s32 $0x60, s22;
	v24 =	vor.u32 s25, v0;
	s25 =	sadd.s32 $0x20, s22;
	vm9 =	vmmov vm6;
	v22 =	vld [tilespmem:s23+$0xFFFFFFE0]  }
0x104: {  	vm10 =	vmmov vm5;
	v25 =	vld [tilespmem:s23+$0xFFFFFFF0];
	[tilespmem:v20+s13+$0x0] =	vst.idx.msk vm1, v23;
	v20 =	vor.u32 s25, v0;
	s25 =	sadd.s32 $0x30, s22;
	v23 =	vor.u32 s26, v0;
	s26 =	sadd.s32 $0x70, s22  }
0x105: {  	s28 =	sadd.s32 $0x50, s22;
	vm11 =	vmmov vm4;
	v26 =	vld [tilespmem:s23+$0x0];
	v27 =	vor.u32 s25, v0;
	s25 =	sadd.s32 $0x40, s22;
	[tilespmem:v15+s13+$0x0] =	vst.idx.msk vm3, v23;
	v15 =	vor.u32 s26, v0;
	s22 =	smov.u32 s21  }
0x106: {  	v28 =	vor.u32 s28, v0;
	s21 =	smov.u32 s24;
	vm1 =	vge.f32 v19, v9;
	v19 =	vld [tilespmem:s23+$0x10];
	v23 =	vor.u32 s25, v0;
	[tilespmem:v13+s13+$0x0] =	vst.idx.msk vm2, v15  }
0x107: {  	v13 =	vsel vm1, $0x1, v1;
	v15 =	vmpcnt.ones.xlane vm1;
	v29 =	vld [tilespmem:s23+$0x20];
	[tilespmem:v12+s13+$0x0] =	vst.idx.msk vm0, v24;
	vm0 =	vge.f32 v21, v9  }
0x108: {  	v21 =	vsel vm0, $0x1, v1;
	v24 =	vmpcnt.ones.xlane vm0;
	vm7 =	vge.f32 v22, v9;
	v22 =	vld [tilespmem:s23+$0x30];
	(xrf0) =	vadd.scan.msk.s32 $0xffff, v13  }
0x109: {  	v12 =	vadd.s32 v10, v15;
	v10 =	vmpcnt.ones.xlane vm7;
	vm6 =	vge.f32 v25, v9;
	(xrf0) =	vadd.scan.msk.s32 $0xffff, v21  }
0x10a: {  	v21 =	vadd.s32 v12, v24;
	v13 =	vmpcnt.ones.xlane vm6;
	vm5 =	vge.f32 v26, v9;
	[tilespmem:v18+s13+$0x0] =	vst.idx.msk vm8, v20  }
0x10b: {  	v20 =	vadd.s32 v21, v10;
	v10 =	vmpcnt.ones.xlane vm5;
	vm4 =	vge.f32 v19, v9;
	[tilespmem:v14+s13+$0x0] =	vst.idx.msk vm9, v27  }
0x10c: {  	v24 =	vadd.s32 v20, v13;
	v13 =	vmpcnt.ones.xlane vm4;
	vm3 =	vge.f32 v29, v9;
	[tilespmem:v16+s13+$0x0] =	vst.idx.msk vm10, v23  }
0x10d: {  	v15 =	vadd.s32 v24, v10;
	v10 =	vmpcnt.ones.xlane vm3;
	vm2 =	vge.f32 v22, v9;
	[tilespmem:v17+s13+$0x0] =	vst.idx.msk vm11, v28  }
0x10e: {  	v17 =	vsel vm7, $0x1, v1;
	v13 =	vadd.s32 v15, v13;
	v18 =	vmpcnt.ones.xlane vm2;
	v14, _, _ =	vpop (xrf0)  }
0x10f: {  	v19 =	vsel vm6, $0x1, v1;
	v22 =	vsel vm5, $0x1, v1;
	v23 =	vadd.s32 v13, v10;
	v16, _, _ =	vpop (xrf0);
	(xrf0) =	vadd.scan.msk.s32 $0xffff, v17  }
0x110: {  	v25 =	vsel vm3, $0x1, v1;
	v17 =	vsel vm4, $0x1, v1;
	v10 =	vadd.s32 v23, v18;
	(xrf0) =	vadd.scan.msk.s32 $0xffff, v19  }
.Ltmp8:
0x111: {  	v26 =	vsel vm2, $0x1, v1;
	v18 =	vsel vm1, $0xFFFFFFFF, v1;
	v19 =	vsel vm0, $0xFFFFFFFF, v1;
	(xrf0) =	vadd.scan.msk.s32 $0xffff, v22;
	(pc) =	sbr.rel @p0 .LBB2_10-.Ltmp8, $4  }
0x112: {  	v27 =	vsel vm6, $0xFFFFFFFF, v1;
	v28 =	vsel vm5, $0xFFFFFFFF, v1;
	v22 =	vsel vm7, $0xFFFFFFFF, v1;
	(xrf0) =	vadd.scan.msk.s32 $0xffff, v17  }
0x113: {  	v29 =	vsel vm3, $0xFFFFFFFF, v1;
	v30 =	vsel vm2, $0xFFFFFFFF, v1;
	v17 =	vsel vm4, $0xFFFFFFFF, v1;
	(xrf0) =	vadd.scan.msk.s32 $0xffff, v25  }
0x114: {  	v17 =	vadd.s32 v17, v15;
	v15 =	vadd.s32 v29, v13;
	v13 =	vadd.s32 v30, v23;
	(xrf0) =	vadd.scan.msk.s32 $0xffff, v26  }
0x115: {  	s24 =	sadd.s32 $0x80, s24;
	v22 =	vadd.s32 v22, v21;
	v21 =	vadd.s32 v27, v20;
	v20 =	vadd.s32 v28, v24;
	v23, _, _ =	vpop (xrf0)  }
0x116: {  	v11 =	vadd.s32 v18, v11;
	v12 =	vadd.s32 v19, v12;
	v34 =	vadd.s32 v23, v22  }
0x117: {  	v35, _, _ =	vpop (xrf0);
	s23 =	sadd.s32 $0x80, s23;
	vm7 =	vmmov vm7;
	v22 =	vor.u32 s22, v0;
	v11 =	vadd.s32 v14, v11  }
0x118: {  	s24 =	sadd.s32 $0x10, s22;
	s26 =	sadd.s32 $0x20, s22;
	s25 =	sadd.s32 $0x60, s22;
	v12 =	vadd.s32 v16, v12;
	v36 =	vadd.s32 v35, v21;
	vm10 =	vlt.s32 v34, $0x7FF;
	v41 =	vld [tilespmem:s23+$0xFFFFFFC0]  }
0x119: {  	s28 =	sadd.s32 $0x30, s22;
	s29 =	sadd.s32 $0x70, s22;
	v42 =	vld [tilespmem:s23+$0xFFFFFFD0];
	v23 =	vor.u32 s24, v0;
	v25 =	vor.u32 s26, v0;
	v26 =	vor.u32 s25, v0  }
0x11a: {  	v37, _, _ =	vpop (xrf0);
	v43 =	vld [tilespmem:s23+$0xFFFFFFE0];
	v28 =	vor.u32 s28, v0;
	v29 =	vor.u32 s29, v0;
	vm8 =	vlt.s32 v11, $0x7FF  }
0x11b: {  	v24 =	vld [tilespmem:s23+$0xFFFFFFF0];
	vm9 =	vlt.s32 v12, $0x7FF;
	v16 =	vadd.s32 v37, v20;
	v38, _, _ =	vpop (xrf0);
	vm11 =	vlt.s32 v36, $0x7FF  }
0x11c: {  	v27 =	vld [tilespmem:s23+$0x0];
	v18 =	vnsel vm10, $0x7FF, v34;
	v17 =	vadd.s32 v38, v17;
	vm12 =	vlt.s32 v16, $0x7FF  }
0x11d: {  	v44 =	vld [tilespmem:s23+$0x10];
	v39, _, _ =	vpop (xrf0);
	v11 =	vnsel vm8, $0x7FF, v11;
	v12 =	vnsel vm9, $0x7FF, v12;
	v14 =	vnsel vm11, $0x7FF, v36  }
0x11e: {  	v45 =	vld [tilespmem:s23+$0x20];
	vm8 =	vmmov vm6;
	vm9 =	vmmov vm5;
	v15 =	vadd.s32 v39, v15  }
0x11f: {  	vm13 =	vlt.s32 v17, $0x7FF;
	v40, _, _ =	vpop (xrf0);
	v16 =	vnsel vm12, $0x7FF, v16;
	vm14 =	vlt.s32 v15, $0x7FF  }
0x120: {  	v13 =	vadd.s32 v40, v13;
	v17 =	vnsel vm13, $0x7FF, v17;
	v15 =	vnsel vm14, $0x7FF, v15  }
0x121: {  	vm15 =	vlt.s32 v13, $0x7FF;
	vm6 =	vge.f32 v41, v9;
	vm5 =	vge.f32 v42, v9  }
0x122: {  	s30 =	sadd.s32 $0x40, s22;
	vm13 =	vge.f32 v43, v9;
	vm12 =	vge.f32 v24, v9;
	vm11 =	vge.f32 v27, v9  }
0x123: {  	v48 =	vld [tilespmem:s23+$0x30];
	vm10 =	vge.f32 v44, v9;
	vm14 =	vge.f32 v45, v9;
	v44 =	vor.u32 s30, v0  }
0x124: {  	v13 =	vnsel vm15, $0x7FF, v13;
	v31 =	vmpcnt.ones.xlane vm6;
	v33 =	vmpcnt.ones.xlane vm5  }
0x125: {  	v30 =	vsel vm6, $0x1, v1;
	v47 =	vmpcnt.ones.xlane vm13;
	v34 =	vmpcnt.ones.xlane vm12  }
0x126: {  	v32 =	vsel vm5, $0x1, v1;
	v50 =	vmpcnt.ones.xlane vm11;
	v52 =	vmpcnt.ones.xlane vm10  }
0x127: {  	v54 =	vmpcnt.ones.xlane vm14;
	v55 =	vsel vm13, $0x1, v1;
	vm15 =	vmmov vm4  }
0x128: {  	v56 =	vsel vm12, $0x1, v1;
	vm4 =	vge.f32 v48, v9;
	v57 =	vsel vm11, $0x1, v1;
	(xrf0) =	vadd.scan.msk.s32 $0xffff, v30  }
0x129: {  	v58 =	vsel vm10, $0x1, v1;
	v59 =	vsel vm14, $0x1, v1;
	v35 =	vsel vm6, $0xFFFFFFFF, v1;
	(xrf0) =	vadd.scan.msk.s32 $0xffff, v32  }
0x12a: {  	v61 =	vsel vm10, $0xFFFFFFFF, v1;
	v36 =	vsel vm14, $0xFFFFFFFF, v1;
	v62 =	vsel vm13, $0xFFFFFFFF, v1;
	(xrf0) =	vadd.scan.msk.s32 $0xffff, v55  }
0x12b: {  	v40 =	vsel vm12, $0xFFFFFFFF, v1;
	v41 =	vsel vm11, $0xFFFFFFFF, v1;
	v42 =	vsel vm5, $0xFFFFFFFF, v1;
	(xrf0) =	vadd.scan.msk.s32 $0xffff, v56  }
0x12c: {  	[tilespmem:v18+s13+$0x0] =	vst.idx.msk vm7, v25;
	v60 =	vsel vm4, $0x1, v1;
	v46 =	vadd.s32 v10, v31;
	(xrf0) =	vadd.scan.msk.s32 $0xffff, v57  }
0x12d: {  	s31 =	sadd.s32 $0x50, s22;
	v48 =	vsel vm4, $0xFFFFFFFF, v1;
	v10 =	vadd.s32 v35, v10;
	v33 =	vadd.s32 v46, v33;
	(xrf0) =	vadd.scan.msk.s32 $0xffff, v58  }
0x12e: {  	s26 =	sadd.s32 $0x10, s21;
	v21 =	vadd.s32 v42, v46;
	v46 =	vor.u32 s31, v0;
	v49 =	vadd.s32 v33, v47;
	v37, _, _ =	vpop (xrf0);
	(xrf0) =	vadd.scan.msk.s32 $0xffff, v59  }
0x12f: {  	v32 =	vadd.s32 v62, v33;
	v62 =	vor.u32 s26, v0;
	v51 =	vadd.s32 v49, v34;
	v63, _, _ =	vpop (xrf0);
	(xrf0) =	vadd.scan.msk.s32 $0xffff, v60  }
0x130: {  	v24 =	vadd.s32 v40, v49;
	v53 =	vadd.s32 v51, v50;
	v19 =	vadd.s32 v41, v51;
	v43, _, _ =	vpop (xrf0)  }
0x131: {  	[tilespmem:v11+s13+$0x0] =	vst.idx.msk vm1, v22;
	v58 =	vor.u32 s21, v0;
	v30 =	vadd.s32 v53, v52;
	v20 =	vadd.s32 v61, v53;
	v45, _, _ =	vpop (xrf0)  }
0x132: {  	v31 =	vadd.s32 v30, v54;
	v30 =	vadd.s32 v36, v30;
	v10 =	vadd.s32 v37, v10;
	v47, _, _ =	vpop (xrf0)  }
0x133: {  	[tilespmem:v12+s13+$0x0] =	vst.idx.msk vm0, v23;
	v11 =	vadd.s32 v63, v21;
	v51 =	vadd.s32 v48, v31;
	vm1 =	vlt.s32 v10, $0x7FF;
	v50, _, _ =	vpop (xrf0)  }
0x134: {  	[tilespmem:v13+s13+$0x0] =	vst.idx.msk vm2, v29;
	vm2 =	vlt.s32 v11, $0x7FF;
	v10 =	vnsel vm1, $0x7FF, v10;
	v49 =	vadd.s32 v45, v24;
	v52, _, _ =	vpop (xrf0)  }
0x135: {  	[tilespmem:v15+s13+$0x0] =	vst.idx.msk vm3, v26;
	v11 =	vnsel vm2, $0x7FF, v11;
	vm3 =	vlt.s32 v49, $0x7FF;
	v53 =	vadd.s32 v52, v30;
	v54, _, _ =	vpop (xrf0)  }
0x136: {  	[tilespmem:v14+s13+$0x0] =	vst.idx.msk vm8, v28;
	v59 =	vnsel vm3, $0x7FF, v49;
	v55 =	vadd.s32 v54, v51;
	vm1 =	vlt.s32 v53, $0x7FF  }
0x137: {  	[tilespmem:v16+s13+$0x0] =	vst.idx.msk vm9, v44;
	v32 =	vadd.s32 v43, v32;
	v13 =	vnsel vm1, $0x7FF, v53;
	vm7 =	vlt.s32 v55, $0x7FF  }
0x138: {  	[tilespmem:v17+s13+$0x0] =	vst.idx.msk vm15, v46;
	vm0 =	vlt.s32 v32, $0x7FF;
	v19 =	vadd.s32 v47, v19;
	v12 =	vnsel vm7, $0x7FF, v55  }
0x139: {  	s29 =	sadd.s32 $0x30, s21;
	v57 =	vnsel vm0, $0x7FF, v32;
	v56 =	vadd.s32 v50, v20;
	[tilespmem:v10+s13+$0x0] =	vst.idx.msk vm6, v58;
	vm1 =	vlt.s32 v19, $0x7FF  }
0x13a: {  	s24 =	sadd.s32 $0x60, s21;
	[tilespmem:v11+s13+$0x0] =	vst.idx.msk vm5, v62;
	v11 =	vor.u32 s29, v0;
	vm7 =	vlt.s32 v56, $0x7FF;
	v60 =	vnsel vm1, $0x7FF, v19  }
0x13b: {  	s25 =	sadd.s32 $0x70, s21;
	v10 =	vor.u32 s24, v0;
	v61 =	vnsel vm7, $0x7FF, v56;
	[tilespmem:v59+s13+$0x0] =	vst.idx.msk vm12, v11  }
0x13c: {  	s28 =	sadd.s32 $0x20, s21;
	[tilespmem:v13+s13+$0x0] =	vst.idx.msk vm14, v10;
	v10 =	vor.u32 s25, v0  }
0x13d: {  	s30 =	sadd.s32 $0x40, s21;
	[tilespmem:v12+s13+$0x0] =	vst.idx.msk vm4, v10;
	v10 =	vor.u32 s28, v0  }
0x13e: {  	s31 =	sadd.s32 $0x50, s21;
	v63 =	vor.u32 s30, v0;
	[tilespmem:v57+s13+$0x0] =	vst.idx.msk vm13, v10;
	v10 =	vmpcnt.ones.xlane vm4  }
0x13f: {  	vm9 =	vmmov vm13;
	vm8 =	vmmov vm12;
	v11 =	vor.u32 s31, v0;
	[tilespmem:v60+s13+$0x0] =	vst.idx.msk vm11, v63  }
0x140: {  	s22 =	simm.s32 $0x18680;
	vm9 =	vmmov vm11;
	vm15 =	vmmov vm10;
	s21 =	simm.s32 $0x18670;
	[tilespmem:v61+s13+$0x0] =	vst.idx.msk vm10, v11;
	v10 =	vadd.s32 v31, v10  }
.LBB2_12:
0x141: {  	v11 =	vld [tilespmem:s22+$0x0];
	_ =	sdelay $0x4  }
0x142: {  	vm0 =	vge.f32 v11, v9  }
0x143: {  	v11 =	vsel vm0, $0x1, v1  }
0x144: {  	(xrf0) =	vadd.scan.msk.s32 $0xffff, v11;
	_ =	sdelay $0x4  }
0x145: {  	v11 =	vsel vm0, $0xFFFFFFFF, v1  }
0x146: {  	v11 =	vadd.s32 v11, v10;
	v12, _, _ =	vpop (xrf0)  }
0x147: {  	v11 =	vadd.s32 v12, v11  }
0x148: {  	s21 =	sadd.s32 $0x10, s21;
	vm1 =	vlt.s32 v11, $0x7FF  }
0x149: {  	p0 =	slt.u32 s21, $0x18690;
	v11 =	vnsel vm1, $0x7FF, v11  }
.Ltmp9:
0x14a: {  	_ = 	snop;
	(pc) =	sbr.rel @p0 .LBB2_12-.Ltmp9, $4  }
0x14b: {  	_ = 	snop  }
0x14c: {  	v63 =	vmpcnt.ones.xlane vm0  }
0x14d: {  	v13 =	vor.u32 s21, v0  }
0x14e: {  	s22 =	sadd.s32 $0x10, s22;
	v10 =	vadd.s32 v10, v63;
	[tilespmem:v11+s13+$0x0] =	vst.idx.msk vm0, v13  }
0x14f: {  	v9 =	vxor.u32 $0x80000000, v10  }
0x150: {  	(xrf0) =	vmax.scan.msk.u32 $0xffff, v9;
	_ =	sdelay $0x5  }
0x151: {  	v9, _, _ =	vpop (xrf0)  }
0x152: {  	(v2sf) =	vpush v9, $0xF;
	_ =	sdelay $0xe  }
0x153: {  	s22 =	spop (v2sf)  }
0x154: {  	s21 =	sadd.s32 $0x8000000F, s22  }
0x155: {  	s23 =	sand.u32 $0xF, s21  }
0x156: {  	s24 =	sshra.s32 s21, $0x1F;
	p0 =	slt.s32 s21, $0x1;
	p1 =	sne.s32 s23, $0x0  }
0x157: {  	s30 =	sshrl.u32 s24, $0x1C;
	p0 =	por !p0, !p1  }
0x158: {  	s23 =	simm.s32 $0x1;
	s21 =	sadd.s32 s30, s21;
	p0 =	por !p0, !p0  }
0x159: {  	s21 =	sshra.s32 s21, $0x4;
	s23 =	simm.s32 @!p0 $0x0  }
.Ltmp10:
0x15a: {  	s21 =	ssub.s32 s21, s23;
	(pc) =	sbr.rel .LBB2_14-.Ltmp10, $4  }
0x15b: {  	[tilespmem:$0x1CF00] =	vst v6;
	s23 =	sshll.u32 s21, $0x6  }
0x15c: {  	[tilespmem:$0x1CF10] =	vst v6;
	s31 =	sxor.u32 $0x80000000, s22;
	s21 =	sshll.u32 s21, $0x4;
	s23 =	sshra.s32 s23, $0x2  }
0x15d: {  	[tilespmem:$0x1CF20] =	vst v6;
	s24 =	simm.s32 $0x0;
	s22 =	sand.u32 $0xFFFFFFC0, s21;
	s23 =	sand.u32 $0xFFFFFFC0, s23  }
0x15e: {  	[tilespmem:$0x1CF30] =	vst v6;
	v9 =	vmov s31;
	p0 =	slt.s32 s21, $0x40;
	p1 =	seq.s32 s22, s21;
	s23 =	sadd.s32 $0x1C700, s23  }
.LBB2_18:
0x15f: {  	v12 =	vxor.u32 $0x80000000, v11  }
0x160: {  	(xrf0) =	vmax.scan.msk.u32 $0xffff, v12;
	_ =	sdelay $0x5  }
0x161: {  	v12, _, _ =	vpop (xrf0)  }
0x162: {  	(v2sf) =	vpush v12, $0xF;
	_ =	sdelay $0xe  }
0x163: {  	s25 =	spop (v2sf)  }
0x164: {  	s25 =	sxor.u32 $0x80000000, s25  }
0x165: {  	v10 =	vxor.u32 $0x80000000, v10;
	vm0 =	veq.s32 v11, s25  }
0x166: {  	v10 =	vnsel vm0, $0xC0000000, v10  }
0x167: {  	(xrf0) =	vmin.scan.msk.u32 $0xffff, v10;
	_ =	sdelay $0x5  }
0x168: {  	v10, _, _ =	vpop (xrf0)  }
0x169: {  	(v2sf) =	vpush v10, $0xF;
	_ =	sdelay $0xe  }
0x16a: {  	s31 =	spop (v2sf)  }
0x16b: {  	s25 =	sxor.u32 $0x80000000, s31  }
0x16c: {  	v10 =	vmov s25;
	_ =	sdelay $0x4  }
0x16d: {  	v10 =	vld.idx.msk [tilespmem:v10+s13+$0x0], $0xffff;
	_ =	sdelay $0x7  }
0x16e: {  	v63 =	vmov s24;
	v11 =	vld.idx.msk [tilespmem:v10+s2+$0x0], $0xffff  }
0x16f: {  	s24 =	sadd.s32 $0x1, s24  }
0x170: {  	p2 =	sne.s32 s24, $0x32  }
.Ltmp11:
0x171: {  	_ = 	snop;
	(pc) =	sbr.rel @!p2 .LBB2_19-.Ltmp11, $4  }
0x172: {  	_ = 	snop  }
0x173: {  	[tilespmem:v63+s14+$0x0] =	vst.idx.msk $0x1, v11  }
0x174: {  	[tilespmem:v63+s15+$0x0] =	vst.idx.msk $0x1, v10  }
0x175: {  	[tilespmem:v10+s2+$0x0] =	vst.idx.msk $0x1, v7  }
.LBB2_14:
.Ltmp12:
0x176: {  	(pc) =	sbr.rel @p0 .LBB2_15-.Ltmp12, $1  }
0x177: {  	_ =	sdelay $0x3  }
0x178: {  	s25 =	simm.s32 $0x1C720  }
0x179: {  	s26 =	simm.s32 $0x0;
	v13 =	vld [tilespmem:s25+$0xFFFFFFE0]  }
0x17a: {  	s30 =	simm.s32 $0x30;
	v21 =	vor.u32 s26, v0;
	v14 =	vld [tilespmem:s25+$0x10]  }
0x17b: {  	s28 =	simm.s32 $0x10;
	v10 =	vor.u32 s30, v0;
	v15 =	vld [tilespmem:s25+$0xFFFFFFF0];
	vm0 =	vlt.s32 v21, v9  }
0x17c: {  	s31 =	simm.s32 $0x20;
	v23 =	vor.u32 s28, v0;
	v17 =	vld [tilespmem:s25+$0x0];
	vm3 =	vlt.s32 v10, v9  }
0x17d: {  	v20 =	vor.u32 s31, v0;
	vm4 =	vlt.s32 v23, v9  }
0x17e: {  	vm1 =	vlt.s32 v20, v9  }
0x17f: {  	p3 =	sgt.s32 s22, $0x40  }
.Ltmp13:
0x180: {  	_ = 	snop;
	(pc) =	sbr.rel @!p3 .LBB2_23-.Ltmp13, $4  }
0x181: {  	v16 =	vld.idx.msk [tilespmem:v13+s2+$0x0], vm0  }
0x182: {  	v22 =	vld.idx.msk [tilespmem:v14+s2+$0x0], vm3  }
0x183: {  	v12 =	vimm.s32 $0x80000000;
	v11 =	vimm.s32 $0x40000000;
	v15 =	vld.idx.msk [tilespmem:v15+s2+$0x0], vm4  }
0x184: {  	p2 =	por $0x0, $0x0;
	s26 =	simm.s32 $0x40;
	s25 =	simm.s32 $0x1C760;
	vm2 =	vmmov vm0;
	v13 =	vld.idx.msk [tilespmem:v17+s2+$0x0], vm1;
	vm0 =	vmmov vm3;
	vm3 =	vmmov vm4  }
0x185: {  	v14 =	vor.u32 s26, v0;
	s31 =	simm.s32 $0x50;
	s28 =	simm.s32 $0x60;
	s29 =	simm.s32 $0x70;
	vm6 =	vmmov vm1  }
0x186: {  	v24 =	vld [tilespmem:s25+$0xFFFFFFE0];
	v18 =	vor.u32 s31, v0;
	v17 =	vor.u32 s28, v0;
	v19 =	vor.u32 s29, v0  }
0x187: {  	v25 =	vld [tilespmem:s25+$0x10];
	vm7 =	vlt.s32 v14, v9;
	v26 =	vshra.s32 v16, $0x1F;
	vm4 =	vlt.s32 v19, v9  }
0x188: {  	v27 =	vld [tilespmem:s25+$0xFFFFFFF0];
	vm5 =	vlt.s32 v18, v9;
	vm1 =	vlt.s32 v17, v9;
	v26 =	vand.u32 $0x7FFFFFFF, v26  }
0x189: {  	v28 =	vld [tilespmem:s25+$0x0];
	v29 =	vshra.s32 v22, $0x1F;
	v16 =	vxor.u32 v16, v26;
	v26 =	vshra.s32 v15, $0x1F  }
0x18a: {  	v16 =	vnsel vm2, $0x80000000, v16;
	v26 =	vand.u32 $0x7FFFFFFF, v26;
	v30 =	vshra.s32 v13, $0x1F  }
0x18b: {  	vm2 =	vgt.s32 v16, v12;
	v15 =	vxor.u32 v15, v26;
	v26 =	vand.u32 $0x7FFFFFFF, v30  }
0x18c: {  	p3 =	sgt.s32 s22, $0x80;
	v63 =	vsel vm2, v16, v12;
	v21 =	vsel vm2, v21, v11;
	v15 =	vnsel vm3, $0x80000000, v15  }
.Ltmp14:
0x18d: {  	v13 =	vxor.u32 v13, v26;
	v26 =	vand.u32 $0x7FFFFFFF, v29;
	vm2 =	vgt.s32 v15, v63;
	(pc) =	sbr.rel @!p3 .LBB2_25-.Ltmp14, $4  }
0x18e: {  	v13 =	vnsel vm6, $0x80000000, v13;
	v22 =	vxor.u32 v22, v26;
	v16 =	vld.idx.msk [tilespmem:v24+s2+$0x0], vm7;
	v24 =	vsel vm2, v15, v63  }
0x18f: {  	v23 =	vsel vm2, v23, v21;
	v21 =	vld.idx.msk [tilespmem:v25+s2+$0x0], vm4;
	vm2 =	vmmov vm7;
	vm3 =	vgt.s32 v13, v24  }
0x190: {  	v15 =	vld.idx.msk [tilespmem:v27+s2+$0x0], vm5;
	v26 =	vnsel vm0, $0x80000000, v22;
	vm0 =	vmmov vm4;
	v24 =	vsel vm3, v13, v24  }
0x191: {  	s25 =	simm.s32 $0x80;
	s26 =	simm.s32 $0x1C7A0;
	p2 =	por $0x1, $0x1;
	v25 =	vsel vm3, v20, v23;
	v13 =	vld.idx.msk [tilespmem:v28+s2+$0x0], vm1;
	vm3 =	vmmov vm5;
	vm6 =	vgt.s32 v26, v24  }
.LBB2_26:
0x192: {  	v20 =	vor.u32 s25, v0  }
0x193: {  	s28 =	sadd.s32 $0x10, s25;
	s29 =	sadd.s32 $0x20, s25;
	s30 =	sadd.s32 $0x30, s25;
	v22 =	vsel vm6, v26, v24;
	v23 =	vsel vm6, v10, v25;
	v10 =	vmovc v19;
	vm6 =	vmmov vm1  }
0x194: {  	s25 =	sadd.s32 $0x40, s25;
	v24 =	vld [tilespmem:s26+$0xFFFFFFE0];
	v25 =	vor.u32 s28, v0;
	v27 =	vor.u32 s29, v0;
	v19 =	vor.u32 s30, v0  }
0x195: {  	vm7 =	vlt.s32 v20, v9;
	p3 =	slt.s32 s25, s22;
	v28 =	vshra.s32 v16, $0x1F;
	vm4 =	vlt.s32 v19, v9;
	v26 =	vld [tilespmem:s26+$0x10]  }
0x196: {  	vm5 =	vlt.s32 v25, v9;
	vm1 =	vlt.s32 v27, v9;
	v28 =	vand.u32 $0x7FFFFFFF, v28;
	v29 =	vld [tilespmem:s26+$0xFFFFFFF0]  }
0x197: {  	v31 =	vshra.s32 v21, $0x1F;
	v16 =	vxor.u32 v16, v28;
	v28 =	vshra.s32 v15, $0x1F;
	v30 =	vld [tilespmem:s26+$0x0]  }
0x198: {  	v16 =	vnsel vm2, $0x80000000, v16;
	v28 =	vand.u32 $0x7FFFFFFF, v28;
	v32 =	vshra.s32 v13, $0x1F  }
0x199: {  	vm2 =	vgt.s32 v16, v22;
	v15 =	vxor.u32 v15, v28;
	v28 =	vand.u32 $0x7FFFFFFF, v32  }
0x19a: {  	v22 =	vsel vm2, v16, v22;
	v23 =	vsel vm2, v14, v23;
	v15 =	vnsel vm3, $0x80000000, v15;
	v14 =	vmovc v20  }
.Ltmp15:
0x19b: {  	v13 =	vxor.u32 v13, v28;
	v20 =	vand.u32 $0x7FFFFFFF, v31;
	vm2 =	vgt.s32 v15, v22;
	(pc) =	sbr.rel @p3 .LBB2_26-.Ltmp15, $4  }
0x19c: {  	v13 =	vnsel vm6, $0x80000000, v13;
	v22 =	vsel vm2, v15, v22;
	v23 =	vsel vm2, v18, v23;
	v18 =	vmovc v25;
	v16 =	vld.idx.msk [tilespmem:v24+s2+$0x0], vm7  }
0x19d: {  	v20 =	vxor.u32 v21, v20;
	vm2 =	vmmov vm7;
	vm3 =	vgt.s32 v13, v22;
	v21 =	vld.idx.msk [tilespmem:v26+s2+$0x0], vm4  }
0x19e: {  	v24 =	vsel vm3, v13, v22;
	v25 =	vsel vm3, v17, v23;
	v26 =	vnsel vm0, $0x80000000, v20;
	v17 =	vmovc v27;
	v15 =	vld.idx.msk [tilespmem:v29+s2+$0x0], vm5  }
0x19f: {  	s26 =	sadd.s32 $0x40, s26;
	vm0 =	vmmov vm4;
	vm3 =	vmmov vm5;
	vm6 =	vgt.s32 v26, v24;
	v13 =	vld.idx.msk [tilespmem:v30+s2+$0x0], vm1  }
0x1a0: {  	_ = 	snop  }
0x1a1: {  	v27 =	vmov v10  }
0x1a2: {  	v10 =	vmovc v19;
	v23 =	vmovc v18;
	v20 =	vmov v17;
	v22 =	vmov v21;
	v21 =	vmov v14  }
.LBB2_28:
0x1a3: {  	v14 =	vsel @p2 vm6, v26, v24;
	v17 =	vshra.s32 v16, $0x1F  }
0x1a4: {  	v18 =	vsel @p2 vm6, v27, v25;
	vm1 =	vmmov vm1;
	v17 =	vand.u32 $0x7FFFFFFF, v17  }
0x1a5: {  	v57 =	vshra.s32 v15, $0x1F;
	v19 =	vshra.s32 v22, $0x1F;
	v56 =	vxor.u32 v16, v17  }
0x1a6: {  	v12 =	vpsel p2, v14, v12;
	v17 =	vand.u32 $0x7FFFFFFF, v57;
	v16 =	vnsel vm2, $0x80000000, v56  }
0x1a7: {  	v58 =	vshra.s32 v13, $0x1F;
	v59 =	vxor.u32 v15, v17;
	vm2 =	vgt.s32 v16, v12  }
0x1a8: {  	v14 =	vand.u32 $0x7FFFFFFF, v58;
	v15 =	vnsel vm3, $0x80000000, v59;
	v12 =	vsel vm2, v16, v12  }
0x1a9: {  	v11 =	vpsel p2, v18, v11;
	v60 =	vxor.u32 v13, v14;
	vm3 =	vgt.s32 v15, v12  }
.Ltmp16:
0x1aa: {  	v61 =	vand.u32 $0x7FFFFFFF, v19;
	v13 =	vnsel vm1, $0x80000000, v60;
	v12 =	vsel vm3, v15, v12;
	(pc) =	sbr.rel .LBB2_16-.Ltmp16, $4  }
0x1ab: {  	v14 =	vxor.u32 v22, v61;
	v11 =	vsel vm2, v21, v11;
	vm1 =	vgt.s32 v13, v12  }
0x1ac: {  	v62 =	vnsel vm0, $0x80000000, v14;
	v11 =	vsel vm3, v23, v11;
	v12 =	vsel vm1, v13, v12  }
0x1ad: {  	v63 =	vsel vm1, v20, v11;
	vm0 =	vgt.s32 v62, v12  }
0x1ae: {  	v11 =	vsel vm0, v62, v12;
	v10 =	vsel vm0, v10, v63  }
.LBB2_15:
0x1af: {  	v10 =	vimm.s32 $0x40000000;
	v11 =	vimm.s32 $0x80000000  }
.LBB2_16:
.Ltmp17:
0x1b0: {  	(pc) =	sbr.rel @p1 .LBB2_18-.Ltmp17, $2  }
0x1b1: {  	_ =	sdelay $0x2  }
0x1b2: {  	s25 =	smov.u32 s23;
	s26 =	smov.u32 s22  }
.LBB2_17:
0x1b3: {  	v12 =	vld [tilespmem:s25+$0x0]  }
0x1b4: {  	v13 =	vor.u32 s26, v0  }
0x1b5: {  	vm0 =	vlt.s32 v13, v9;
	_ =	sdelay $0x5  }
0x1b6: {  	v12 =	vld.idx.msk [tilespmem:v12+s2+$0x0], vm0;
	_ =	sdelay $0x3  }
0x1b7: {  	s26 =	sadd.s32 $0x10, s26  }
0x1b8: {  	p2 =	slt.s32 s26, s21;
	v14 =	vshra.s32 v12, $0x1F  }
.Ltmp18:
0x1b9: {  	v14 =	vand.u32 $0x7FFFFFFF, v14;
	(pc) =	sbr.rel @p2 .LBB2_17-.Ltmp18, $4  }
0x1ba: {  	v12 =	vxor.u32 v12, v14  }
0x1bb: {  	v12 =	vnsel vm0, $0x80000000, v12  }
0x1bc: {  	vm0 =	vgt.s32 v12, v11  }
0x1bd: {  	s25 =	sadd.s32 $0x10, s25;
	v11 =	vsel vm0, v12, v11;
	v10 =	vsel vm0, v13, v10  }
.Ltmp19:
0x1be: {  	_ = 	snop;
	(pc) =	sbr.rel .LBB2_18-.Ltmp19, $1  }
0x1bf: {  	_ =	sdelay $0x3  }
.LBB2_23:
.Ltmp20:
0x1c0: {  	(pc) =	sbr.rel .LBB2_28-.Ltmp20, $2  }
0x1c1: {  	_ =	sdelay $0x2  }
0x1c2: {  	_ = 	snop  }
.LBB2_25:
.Ltmp21:
0x1c3: {  	(pc) =	sbr.rel .LBB2_28-.Ltmp21, $3  }
0x1c4: {  	_ =	sdelay $0x1  }
0x1c5: {  	v27 =	vmov v10  }
0x1c6: {  	v10 =	vmovc v19;
	v23 =	vmovc v18;
	v20 =	vmov v17;
	v22 =	vmov v21;
	v21 =	vmov v14  }
.LBB2_21:
0x1c7: {  	_ =	sfence.sel $0x180000  }
0x1c8: {  	[bflag:$0x0] =	sbarrier.arrive $0xFFFF  }
0x1c9: {  	p0 =	sne.s32 s1, $0x0;
	_ =	strace $0x90000047  }
0x1ca: {  	s0 =	sadd.s32 @!p0 $0x100000, s0;
	[bflag:$0x2] =	sbarrier.arrive $0xFFFF  }
0x1cb: {  	[sflag:s0] =	ssyncadd.tile.s32 @!p0 $0x1;
	_ =	shalt  }
.Lfunc_end2:
_tile_overlayer_lowered:
.L_overlay_start_2:
0x1cc: {  	(tag) =	ssettag $0x2  }
0x1cd: {  	s0 =	rddreg [dreg:$0x0];
	s2 =	stileid.u32  }
0x1ce: {  	s1 =	rddreg [dreg:$0x1];
	p0 =	sne.s32 s2, $0x0  }
0x1cf: {  	s3 =	rddreg [dreg:$0x2];
	[bflag:$0x3] =	sbarrier.arrive $0xFFFF;
	s2 =	simm.s32 @!p0 $0x1C02  }
0x1d0: {  	[timem:s3], [sflag:s2] =	dma.local @!p0 [hbm:s0], s1  }
0x1d1: {  	s0 =	simm.s32 @!p0 $0x2  }
0x1d2: {  	_ =	swait.ge @!p0 [sflag:s0], s1  }
0x1d3: {  	s1 =	ssub.s32 @!p0 $0x0, s1;
	[sflag:s0] =	ssyncset.done @!p0 $0x0  }
0x1d4: {  	[sflag:s0] =	ssyncadd.s32 @!p0 s1  }
0x1d5: {  	[bflag:$0x3] =	sbarrier.arrive $0xFFFF  }
0x1d6: {  	_ =	shalt  }

</sc_bundles>
